<compile_context>
chip_gen: v7x
topology: tpu7x:2x2x1
jax: 0.10.2.dev20260603
libtpu: 0.0.44.dev20260713+nightly
codegen_flags: <defaults>
</compile_context>

<pallas_src>
import functools

import jax
import jax.numpy as jnp
from jax import lax
from jax.experimental import pallas as pl
from jax.experimental.pallas import tpu as pltpu
from jax.experimental.pallas import tpu_sc as plsc

_CHUNK = 128
_GRP = 4
_GROWS = _GRP * _CHUNK
_NW = 32


def _build_gather(n_chunks, d_model):
    mesh = plsc.VectorSubcoreMesh(core_axis_name="c", subcore_axis_name="s")
    n_rows = n_chunks * _CHUNK
    n_groups = n_chunks // _GRP
    num_cores = 2

    @functools.partial(
        pl.kernel,
        mesh=mesh,
        compiler_params=pltpu.CompilerParams(use_tc_tiling_on_sc=False),
        out_type=jax.ShapeDtypeStruct((_NW * n_rows, d_model), jnp.float32),
        scratch_types=[
            pltpu.VMEM((n_chunks, _CHUNK), jnp.int32),
            pltpu.VMEM((2, _GROWS, d_model), jnp.float32),
            pltpu.SemaphoreType.DMA((2,)),
            pltpu.SemaphoreType.DMA((2,)),
        ],
    )
    def gather_kernel(table_hbm, idx_hbm, out_hbm, idx_v, rows_v, gsem, ssem):
        wid = lax.axis_index("s") * num_cores + lax.axis_index("c")
        base = wid * n_rows
        pltpu.sync_copy(idx_hbm.at[wid], idx_v)

        def issue_gathers(g, par):
            for q in range(_GRP):
                pltpu.async_copy(
                    table_hbm.at[idx_v.at[g * _GRP + q]],
                    rows_v.at[par, pl.ds(q * _CHUNK, _CHUNK)],
                    gsem.at[par],
                )

        def wait_gathers(par):
            pltpu.make_async_copy(
                table_hbm.at[pl.ds(0, _GROWS)], rows_v.at[par], gsem.at[par]
            ).wait()

        def start_store(g, par):
            pltpu.async_copy(
                rows_v.at[par],
                out_hbm.at[pl.ds(base + g * _GROWS, _GROWS)],
                ssem.at[par],
            )

        def wait_store(par):
            pltpu.make_async_copy(
                rows_v.at[par], out_hbm.at[pl.ds(base, _GROWS)], ssem.at[par]
            ).wait()

        issue_gathers(0, 0)
        issue_gathers(1, 1)
        wait_gathers(0)
        start_store(0, 0)

        def body(k, carry):
            g = 2 * k + 1
            wait_store(0)
            issue_gathers(g + 1, 0)
            wait_gathers(1)
            start_store(g, 1)
            wait_store(1)
            issue_gathers(g + 2, 1)
            wait_gathers(0)
            start_store(g + 1, 0)
            return carry

        lax.fori_loop(0, (n_groups - 2) // 2, body, 0)

        wait_gathers(1)
        start_store(n_groups - 1, 1)
        wait_store(0)
        wait_store(1)

    return gather_kernel


def kernel(token_ids, weight):
    b, s = token_ids.shape
    d_model = weight.shape[1]
    total = b * s
    flat = token_ids.reshape(-1).astype(jnp.int32)

    grain = _NW * _GROWS * 2
    padded = -(-total // grain) * grain
    if padded != total:
        flat = jnp.concatenate(
            [flat, jnp.zeros((padded - total,), jnp.int32)], axis=0
        )
    per_worker = padded // _NW
    idx3 = flat.reshape(_NW, per_worker // _CHUNK, _CHUNK)

    gather = _build_gather(per_worker // _CHUNK, d_model)
    out = gather(weight, idx3)
    return out[:total].reshape(b, s, d_model)

# --- scband reference (transcript-rebuilt; emitter-appended) ---
"""Pipeline reference for scband-token-embedding-67044439491012 (READ-ONLY COPY).

The authoritative reference and input builder live on the scoring server;
editing this copy changes nothing except your own understanding.
"""

import jax, jax.numpy as jnp
import numpy as np
import math

VOCAB_SIZE = 1000000
D_MODEL = 64

def setup_inputs(seed: int = 0) -> dict:
    key = jax.random.key(seed)
    k_idx, k_w = jax.random.split(key)
    token_ids = jax.random.randint(k_idx, (4096, 200), 0, VOCAB_SIZE, dtype=jnp.int64 if jax.config.jax_enable_x64 else jnp.int32)
    std = math.sqrt(2.0 / (VOCAB_SIZE + D_MODEL))
    # trunc_normal approximated by clipped normal scaled by std
    w = jax.random.truncated_normal(k_w, -2.0, 2.0, (VOCAB_SIZE, D_MODEL), dtype=jnp.float32) * std
    return {"token_ids": token_ids, "weight": w}

def reference(token_ids, weight):
    # F.embedding(token_ids, weight) -> weight[token_ids]
    return jnp.take(weight, token_ids, axis=0)

if __name__ == "__main__":
    import jax
    _d = setup_inputs()
    print(jax.jit(kernel)(*tuple(_d.values())))

</pallas_src>

<mosaic_0001>
#map = affine_map<(d0, d1) -> (0, 0)>
#map1 = affine_map<(d0, d1) -> (0, 0, 0)>
module attributes {stable_mosaic.version = 14 : i64} {
  func.func @gather_kernel(%arg0: i32, %arg1: i32, %arg2: memref<1000000x64xf32, #tpu.memory_space<hbm>>, %arg3: memref<32x200x128xi32, #tpu.memory_space<hbm>>, %arg4: memref<819200x64xf32, #tpu.memory_space<hbm>>, %arg5: memref<200x128xi32, #tpu.memory_space<vmem>>, %arg6: memref<2x512x64xf32, #tpu.memory_space<vmem>>, %arg7: memref<2x!tpu.dma_semaphore, #tpu.memory_space<semaphore_mem>>, %arg8: memref<2x!tpu.dma_semaphore, #tpu.memory_space<semaphore_mem>>) attributes {dimension_semantics = [#tpu.dimension_semantics<core_parallel>, #tpu.dimension_semantics<subcore_parallel>], iteration_bounds = array<i64: 2, 16>, scalar_prefetch = 0 : i64, scratch_operands = 4 : i64, tpu.core_type = #tpu.core_type<sc_vector_subcore>, window_params = [{transform_indices = #map}, {transform_indices = #map1}, {transform_indices = #map}]} {
    %mul3A = arith.constant 2 : i32
    %mul3A_0 = arith.muli %arg1, %mul3A : i32
    %add3A = arith.addi %mul3A_0, %arg0 : i32
    %mul3A_1 = arith.constant 25600 : i32
    %mul3A_2 = arith.muli %add3A, %mul3A_1 : i32
    "tpu.region"() ({
      %run_scoped3A = tpu.sem_alloc : memref<!tpu.dma_semaphore, #tpu.memory_space<semaphore_mem>>
      %dma_start3A_230 = arith.constant 0 : i32
      %dma_start3A_231 = arith.constant 0 : i32
      %dma_start3A_232 = tpu.memref_slice %arg3[%add3A, %dma_start3A_230, %dma_start3A_231] : memref<32x200x128xi32, #tpu.memory_space<hbm>> -> memref<1x200x128xi32, #tpu.memory_space<hbm>>
      %dma_start3A_233 = tpu.memref_squeeze %dma_start3A_232 : memref<1x200x128xi32, #tpu.memory_space<hbm>> -> memref<200x128xi32, #tpu.memory_space<hbm>>
      %dma_start3A_234 = arith.constant 0 : i32
      %dma_start3A_235 = arith.constant 0 : i32
      %dma_start3A_236 = tpu.memref_slice %arg3[%add3A, %dma_start3A_234, %dma_start3A_235] : memref<32x200x128xi32, #tpu.memory_space<hbm>> -> memref<1x200x128xi32, #tpu.memory_space<hbm>>
      %dma_start3A_237 = tpu.memref_squeeze %dma_start3A_236 : memref<1x200x128xi32, #tpu.memory_space<hbm>> -> memref<200x128xi32, #tpu.memory_space<hbm>>
      tpu.enqueue_dma source(%dma_start3A_237 : memref<200x128xi32, #tpu.memory_space<hbm>>) target(%arg5 : memref<200x128xi32, #tpu.memory_space<vmem>>) target_semaphore(%run_scoped3A : memref<!tpu.dma_semaphore, #tpu.memory_space<semaphore_mem>>)
      %dma_wait3A_238 = arith.constant 0 : i32
      %dma_wait3A_239 = arith.constant 0 : i32
      %dma_wait3A_240 = tpu.memref_slice %arg3[%add3A, %dma_wait3A_238, %dma_wait3A_239] : memref<32x200x128xi32, #tpu.memory_space<hbm>> -> memref<1x200x128xi32, #tpu.memory_space<hbm>>
      %dma_wait3A_241 = tpu.memref_squeeze %dma_wait3A_240 : memref<1x200x128xi32, #tpu.memory_space<hbm>> -> memref<200x128xi32, #tpu.memory_space<hbm>>
      %dma_wait3A_242 = arith.constant 0 : i32
      %dma_wait3A_243 = arith.constant 0 : i32
      %dma_wait3A_244 = tpu.memref_slice %arg3[%add3A, %dma_wait3A_242, %dma_wait3A_243] : memref<32x200x128xi32, #tpu.memory_space<hbm>> -> memref<1x200x128xi32, #tpu.memory_space<hbm>>
      %dma_wait3A_245 = tpu.memref_squeeze %dma_wait3A_244 : memref<1x200x128xi32, #tpu.memory_space<hbm>> -> memref<200x128xi32, #tpu.memory_space<hbm>>
      tpu.wait_dma2 semaphore(%run_scoped3A : memref<!tpu.dma_semaphore, #tpu.memory_space<semaphore_mem>>) src(%dma_wait3A_245 : memref<200x128xi32, #tpu.memory_space<hbm>>) dst(%arg5 : memref<200x128xi32, #tpu.memory_space<vmem>>)
      tpu.yield
    }) : () -> ()
    %dma_start3A = arith.constant 0 : i32
    %dma_start3A_3 = arith.constant 0 : i32
    %dma_start3A_4 = arith.constant 0 : i32
    %dma_start3A_5 = arith.constant 0 : i32
    %dma_start3A_6 = arith.constant 0 : i32
    %dma_start3A_7 = tpu.memref_slice %arg6[%dma_start3A_3, %dma_start3A_5, %dma_start3A_6] : memref<2x512x64xf32, #tpu.memory_space<vmem>> -> memref<1x128x64xf32, #tpu.memory_space<vmem>>
    %dma_start3A_8 = tpu.memref_squeeze %dma_start3A_7 : memref<1x128x64xf32, #tpu.memory_space<vmem>> -> memref<128x64xf32, #tpu.memory_space<vmem>>
    %dma_start3A_9 = arith.constant 0 : i32
    %dma_start3A_10 = tpu.memref_slice %arg5[%dma_start3A, %dma_start3A_9] : memref<200x128xi32, #tpu.memory_space<vmem>> -> memref<1x128xi32, #tpu.memory_space<vmem>>
    %dma_start3A_11 = tpu.memref_squeeze %dma_start3A_10 : memref<1x128xi32, #tpu.memory_space<vmem>> -> memref<128xi32, #tpu.memory_space<vmem>>
    %dma_start3A_12 = arith.constant 0 : i32
    %dma_start3A_13 = arith.constant 0 : i32
    %dma_start3A_14 = tpu.memref_slice %arg2[%dma_start3A_12, %dma_start3A_13] : memref<1000000x64xf32, #tpu.memory_space<hbm>> -> memref<1000000x64xf32, #tpu.memory_space<hbm>>
    %dma_start3A_15 = tpu.memref_slice %arg7[%dma_start3A_4] : memref<2x!tpu.dma_semaphore, #tpu.memory_space<semaphore_mem>> -> memref<1x!tpu.dma_semaphore, #tpu.memory_space<semaphore_mem>>
    %dma_start3A_16 = tpu.memref_squeeze %dma_start3A_15 : memref<1x!tpu.dma_semaphore, #tpu.memory_space<semaphore_mem>> -> memref<!tpu.dma_semaphore, #tpu.memory_space<semaphore_mem>>
    tpu.enqueue_indirect_dma source(%dma_start3A_14 : memref<1000000x64xf32, #tpu.memory_space<hbm>>) target(%dma_start3A_8 : memref<128x64xf32, #tpu.memory_space<vmem>>) offsets(%dma_start3A_11 : memref<128xi32, #tpu.memory_space<vmem>>) semaphore(%dma_start3A_16 : memref<!tpu.dma_semaphore, #tpu.memory_space<semaphore_mem>>)
    %dma_start3A_17 = arith.constant 1 : i32
    %dma_start3A_18 = arith.constant 0 : i32
    %dma_start3A_19 = arith.constant 0 : i32
    %dma_start3A_20 = arith.constant 128 : i32
    %dma_start3A_21 = arith.constant 0 : i32
    %dma_start3A_22 = tpu.memref_slice %arg6[%dma_start3A_18, %dma_start3A_20, %dma_start3A_21] : memref<2x512x64xf32, #tpu.memory_space<vmem>> -> memref<1x128x64xf32, #tpu.memory_space<vmem>>
    %dma_start3A_23 = tpu.memref_squeeze %dma_start3A_22 : memref<1x128x64xf32, #tpu.memory_space<vmem>> -> memref<128x64xf32, #tpu.memory_space<vmem>>
    %dma_start3A_24 = arith.constant 0 : i32
    %dma_start3A_25 = tpu.memref_slice %arg5[%dma_start3A_17, %dma_start3A_24] : memref<200x128xi32, #tpu.memory_space<vmem>> -> memref<1x128xi32, #tpu.memory_space<vmem>>
    %dma_start3A_26 = tpu.memref_squeeze %dma_start3A_25 : memref<1x128xi32, #tpu.memory_space<vmem>> -> memref<128xi32, #tpu.memory_space<vmem>>
    %dma_start3A_27 = arith.constant 0 : i32
    %dma_start3A_28 = arith.constant 0 : i32
    %dma_start3A_29 = tpu.memref_slice %arg2[%dma_start3A_27, %dma_start3A_28] : memref<1000000x64xf32, #tpu.memory_space<hbm>> -> memref<1000000x64xf32, #tpu.memory_space<hbm>>
    %dma_start3A_30 = tpu.memref_slice %arg7[%dma_start3A_19] : memref<2x!tpu.dma_semaphore, #tpu.memory_space<semaphore_mem>> -> memref<1x!tpu.dma_semaphore, #tpu.memory_space<semaphore_mem>>
    %dma_start3A_31 = tpu.memref_squeeze %dma_start3A_30 : memref<1x!tpu.dma_semaphore, #tpu.memory_space<semaphore_mem>> -> memref<!tpu.dma_semaphore, #tpu.memory_space<semaphore_mem>>
    tpu.enqueue_indirect_dma source(%dma_start3A_29 : memref<1000000x64xf32, #tpu.memory_space<hbm>>) target(%dma_start3A_23 : memref<128x64xf32, #tpu.memory_space<vmem>>) offsets(%dma_start3A_26 : memref<128xi32, #tpu.memory_space<vmem>>) semaphore(%dma_start3A_31 : memref<!tpu.dma_semaphore, #tpu.memory_space<semaphore_mem>>)
    %dma_start3A_32 = arith.constant 2 : i32
    %dma_start3A_33 = arith.constant 0 : i32
    %dma_start3A_34 = arith.constant 0 : i32
    %dma_start3A_35 = arith.constant 256 : i32
    %dma_start3A_36 = arith.constant 0 : i32
    %dma_start3A_37 = tpu.memref_slice %arg6[%dma_start3A_33, %dma_start3A_35, %dma_start3A_36] : memref<2x512x64xf32, #tpu.memory_space<vmem>> -> memref<1x128x64xf32, #tpu.memory_space<vmem>>
    %dma_start3A_38 = tpu.memref_squeeze %dma_start3A_37 : memref<1x128x64xf32, #tpu.memory_space<vmem>> -> memref<128x64xf32, #tpu.memory_space<vmem>>
    %dma_start3A_39 = arith.constant 0 : i32
    %dma_start3A_40 = tpu.memref_slice %arg5[%dma_start3A_32, %dma_start3A_39] : memref<200x128xi32, #tpu.memory_space<vmem>> -> memref<1x128xi32, #tpu.memory_space<vmem>>
    %dma_start3A_41 = tpu.memref_squeeze %dma_start3A_40 : memref<1x128xi32, #tpu.memory_space<vmem>> -> memref<128xi32, #tpu.memory_space<vmem>>
    %dma_start3A_42 = arith.constant 0 : i32
    %dma_start3A_43 = arith.constant 0 : i32
    %dma_start3A_44 = tpu.memref_slice %arg2[%dma_start3A_42, %dma_start3A_43] : memref<1000000x64xf32, #tpu.memory_space<hbm>> -> memref<1000000x64xf32, #tpu.memory_space<hbm>>
    %dma_start3A_45 = tpu.memref_slice %arg7[%dma_start3A_34] : memref<2x!tpu.dma_semaphore, #tpu.memory_space<semaphore_mem>> -> memref<1x!tpu.dma_semaphore, #tpu.memory_space<semaphore_mem>>
    %dma_start3A_46 = tpu.memref_squeeze %dma_start3A_45 : memref<1x!tpu.dma_semaphore, #tpu.memory_space<semaphore_mem>> -> memref<!tpu.dma_semaphore, #tpu.memory_space<semaphore_mem>>
    tpu.enqueue_indirect_dma source(%dma_start3A_44 : memref<1000000x64xf32, #tpu.memory_space<hbm>>) target(%dma_start3A_38 : memref<128x64xf32, #tpu.memory_space<vmem>>) offsets(%dma_start3A_41 : memref<128xi32, #tpu.memory_space<vmem>>) semaphore(%dma_start3A_46 : memref<!tpu.dma_semaphore, #tpu.memory_space<semaphore_mem>>)
    %dma_start3A_47 = arith.constant 3 : i32
    %dma_start3A_48 = arith.constant 0 : i32
    %dma_start3A_49 = arith.constant 0 : i32
    %dma_start3A_50 = arith.constant 384 : i32
    %dma_start3A_51 = arith.constant 0 : i32
    %dma_start3A_52 = tpu.memref_slice %arg6[%dma_start3A_48, %dma_start3A_50, %dma_start3A_51] : memref<2x512x64xf32, #tpu.memory_space<vmem>> -> memref<1x128x64xf32, #tpu.memory_space<vmem>>
    %dma_start3A_53 = tpu.memref_squeeze %dma_start3A_52 : memref<1x128x64xf32, #tpu.memory_space<vmem>> -> memref<128x64xf32, #tpu.memory_space<vmem>>
    %dma_start3A_54 = arith.constant 0 : i32
    %dma_start3A_55 = tpu.memref_slice %arg5[%dma_start3A_47, %dma_start3A_54] : memref<200x128xi32, #tpu.memory_space<vmem>> -> memref<1x128xi32, #tpu.memory_space<vmem>>
    %dma_start3A_56 = tpu.memref_squeeze %dma_start3A_55 : memref<1x128xi32, #tpu.memory_space<vmem>> -> memref<128xi32, #tpu.memory_space<vmem>>
    %dma_start3A_57 = arith.constant 0 : i32
    %dma_start3A_58 = arith.constant 0 : i32
    %dma_start3A_59 = tpu.memref_slice %arg2[%dma_start3A_57, %dma_start3A_58] : memref<1000000x64xf32, #tpu.memory_space<hbm>> -> memref<1000000x64xf32, #tpu.memory_space<hbm>>
    %dma_start3A_60 = tpu.memref_slice %arg7[%dma_start3A_49] : memref<2x!tpu.dma_semaphore, #tpu.memory_space<semaphore_mem>> -> memref<1x!tpu.dma_semaphore, #tpu.memory_space<semaphore_mem>>
    %dma_start3A_61 = tpu.memref_squeeze %dma_start3A_60 : memref<1x!tpu.dma_semaphore, #tpu.memory_space<semaphore_mem>> -> memref<!tpu.dma_semaphore, #tpu.memory_space<semaphore_mem>>
    tpu.enqueue_indirect_dma source(%dma_start3A_59 : memref<1000000x64xf32, #tpu.memory_space<hbm>>) target(%dma_start3A_53 : memref<128x64xf32, #tpu.memory_space<vmem>>) offsets(%dma_start3A_56 : memref<128xi32, #tpu.memory_space<vmem>>) semaphore(%dma_start3A_61 : memref<!tpu.dma_semaphore, #tpu.memory_space<semaphore_mem>>)
    %dma_start3A_62 = arith.constant 4 : i32
    %dma_start3A_63 = arith.constant 1 : i32
    %dma_start3A_64 = arith.constant 1 : i32
    %dma_start3A_65 = arith.constant 0 : i32
    %dma_start3A_66 = arith.constant 0 : i32
    %dma_start3A_67 = tpu.memref_slice %arg6[%dma_start3A_63, %dma_start3A_65, %dma_start3A_66] : memref<2x512x64xf32, #tpu.memory_space<vmem>> -> memref<1x128x64xf32, #tpu.memory_space<vmem>>
    %dma_start3A_68 = tpu.memref_squeeze %dma_start3A_67 : memref<1x128x64xf32, #tpu.memory_space<vmem>> -> memref<128x64xf32, #tpu.memory_space<vmem>>
    %dma_start3A_69 = arith.constant 0 : i32
    %dma_start3A_70 = tpu.memref_slice %arg5[%dma_start3A_62, %dma_start3A_69] : memref<200x128xi32, #tpu.memory_space<vmem>> -> memref<1x128xi32, #tpu.memory_space<vmem>>
    %dma_start3A_71 = tpu.memref_squeeze %dma_start3A_70 : memref<1x128xi32, #tpu.memory_space<vmem>> -> memref<128xi32, #tpu.memory_space<vmem>>
    %dma_start3A_72 = arith.constant 0 : i32
    %dma_start3A_73 = arith.constant 0 : i32
    %dma_start3A_74 = tpu.memref_slice %arg2[%dma_start3A_72, %dma_start3A_73] : memref<1000000x64xf32, #tpu.memory_space<hbm>> -> memref<1000000x64xf32, #tpu.memory_space<hbm>>
    %dma_start3A_75 = tpu.memref_slice %arg7[%dma_start3A_64] : memref<2x!tpu.dma_semaphore, #tpu.memory_space<semaphore_mem>> -> memref<1x!tpu.dma_semaphore, #tpu.memory_space<semaphore_mem>>
    %dma_start3A_76 = tpu.memref_squeeze %dma_start3A_75 : memref<1x!tpu.dma_semaphore, #tpu.memory_space<semaphore_mem>> -> memref<!tpu.dma_semaphore, #tpu.memory_space<semaphore_mem>>
    tpu.enqueue_indirect_dma source(%dma_start3A_74 : memref<1000000x64xf32, #tpu.memory_space<hbm>>) target(%dma_start3A_68 : memref<128x64xf32, #tpu.memory_space<vmem>>) offsets(%dma_start3A_71 : memref<128xi32, #tpu.memory_space<vmem>>) semaphore(%dma_start3A_76 : memref<!tpu.dma_semaphore, #tpu.memory_space<semaphore_mem>>)
    %dma_start3A_77 = arith.constant 5 : i32
    %dma_start3A_78 = arith.constant 1 : i32
    %dma_start3A_79 = arith.constant 1 : i32
    %dma_start3A_80 = arith.constant 128 : i32
    %dma_start3A_81 = arith.constant 0 : i32
    %dma_start3A_82 = tpu.memref_slice %arg6[%dma_start3A_78, %dma_start3A_80, %dma_start3A_81] : memref<2x512x64xf32, #tpu.memory_space<vmem>> -> memref<1x128x64xf32, #tpu.memory_space<vmem>>
    %dma_start3A_83 = tpu.memref_squeeze %dma_start3A_82 : memref<1x128x64xf32, #tpu.memory_space<vmem>> -> memref<128x64xf32, #tpu.memory_space<vmem>>
    %dma_start3A_84 = arith.constant 0 : i32
    %dma_start3A_85 = tpu.memref_slice %arg5[%dma_start3A_77, %dma_start3A_84] : memref<200x128xi32, #tpu.memory_space<vmem>> -> memref<1x128xi32, #tpu.memory_space<vmem>>
    %dma_start3A_86 = tpu.memref_squeeze %dma_start3A_85 : memref<1x128xi32, #tpu.memory_space<vmem>> -> memref<128xi32, #tpu.memory_space<vmem>>
    %dma_start3A_87 = arith.constant 0 : i32
    %dma_start3A_88 = arith.constant 0 : i32
    %dma_start3A_89 = tpu.memref_slice %arg2[%dma_start3A_87, %dma_start3A_88] : memref<1000000x64xf32, #tpu.memory_space<hbm>> -> memref<1000000x64xf32, #tpu.memory_space<hbm>>
    %dma_start3A_90 = tpu.memref_slice %arg7[%dma_start3A_79] : memref<2x!tpu.dma_semaphore, #tpu.memory_space<semaphore_mem>> -> memref<1x!tpu.dma_semaphore, #tpu.memory_space<semaphore_mem>>
    %dma_start3A_91 = tpu.memref_squeeze %dma_start3A_90 : memref<1x!tpu.dma_semaphore, #tpu.memory_space<semaphore_mem>> -> memref<!tpu.dma_semaphore, #tpu.memory_space<semaphore_mem>>
    tpu.enqueue_indirect_dma source(%dma_start3A_89 : memref<1000000x64xf32, #tpu.memory_space<hbm>>) target(%dma_start3A_83 : memref<128x64xf32, #tpu.memory_space<vmem>>) offsets(%dma_start3A_86 : memref<128xi32, #tpu.memory_space<vmem>>) semaphore(%dma_start3A_91 : memref<!tpu.dma_semaphore, #tpu.memory_space<semaphore_mem>>)
    %dma_start3A_92 = arith.constant 6 : i32
    %dma_start3A_93 = arith.constant 1 : i32
    %dma_start3A_94 = arith.constant 1 : i32
    %dma_start3A_95 = arith.constant 256 : i32
    %dma_start3A_96 = arith.constant 0 : i32
    %dma_start3A_97 = tpu.memref_slice %arg6[%dma_start3A_93, %dma_start3A_95, %dma_start3A_96] : memref<2x512x64xf32, #tpu.memory_space<vmem>> -> memref<1x128x64xf32, #tpu.memory_space<vmem>>
    %dma_start3A_98 = tpu.memref_squeeze %dma_start3A_97 : memref<1x128x64xf32, #tpu.memory_space<vmem>> -> memref<128x64xf32, #tpu.memory_space<vmem>>
    %dma_start3A_99 = arith.constant 0 : i32
    %dma_start3A_100 = tpu.memref_slice %arg5[%dma_start3A_92, %dma_start3A_99] : memref<200x128xi32, #tpu.memory_space<vmem>> -> memref<1x128xi32, #tpu.memory_space<vmem>>
    %dma_start3A_101 = tpu.memref_squeeze %dma_start3A_100 : memref<1x128xi32, #tpu.memory_space<vmem>> -> memref<128xi32, #tpu.memory_space<vmem>>
    %dma_start3A_102 = arith.constant 0 : i32
    %dma_start3A_103 = arith.constant 0 : i32
    %dma_start3A_104 = tpu.memref_slice %arg2[%dma_start3A_102, %dma_start3A_103] : memref<1000000x64xf32, #tpu.memory_space<hbm>> -> memref<1000000x64xf32, #tpu.memory_space<hbm>>
    %dma_start3A_105 = tpu.memref_slice %arg7[%dma_start3A_94] : memref<2x!tpu.dma_semaphore, #tpu.memory_space<semaphore_mem>> -> memref<1x!tpu.dma_semaphore, #tpu.memory_space<semaphore_mem>>
    %dma_start3A_106 = tpu.memref_squeeze %dma_start3A_105 : memref<1x!tpu.dma_semaphore, #tpu.memory_space<semaphore_mem>> -> memref<!tpu.dma_semaphore, #tpu.memory_space<semaphore_mem>>
    tpu.enqueue_indirect_dma source(%dma_start3A_104 : memref<1000000x64xf32, #tpu.memory_space<hbm>>) target(%dma_start3A_98 : memref<128x64xf32, #tpu.memory_space<vmem>>) offsets(%dma_start3A_101 : memref<128xi32, #tpu.memory_space<vmem>>) semaphore(%dma_start3A_106 : memref<!tpu.dma_semaphore, #tpu.memory_space<semaphore_mem>>)
    %dma_start3A_107 = arith.constant 7 : i32
    %dma_start3A_108 = arith.constant 1 : i32
    %dma_start3A_109 = arith.constant 1 : i32
    %dma_start3A_110 = arith.constant 384 : i32
    %dma_start3A_111 = arith.constant 0 : i32
    %dma_start3A_112 = tpu.memref_slice %arg6[%dma_start3A_108, %dma_start3A_110, %dma_start3A_111] : memref<2x512x64xf32, #tpu.memory_space<vmem>> -> memref<1x128x64xf32, #tpu.memory_space<vmem>>
    %dma_start3A_113 = tpu.memref_squeeze %dma_start3A_112 : memref<1x128x64xf32, #tpu.memory_space<vmem>> -> memref<128x64xf32, #tpu.memory_space<vmem>>
    %dma_start3A_114 = arith.constant 0 : i32
    %dma_start3A_115 = tpu.memref_slice %arg5[%dma_start3A_107, %dma_start3A_114] : memref<200x128xi32, #tpu.memory_space<vmem>> -> memref<1x128xi32, #tpu.memory_space<vmem>>
    %dma_start3A_116 = tpu.memref_squeeze %dma_start3A_115 : memref<1x128xi32, #tpu.memory_space<vmem>> -> memref<128xi32, #tpu.memory_space<vmem>>
    %dma_start3A_117 = arith.constant 0 : i32
    %dma_start3A_118 = arith.constant 0 : i32
    %dma_start3A_119 = tpu.memref_slice %arg2[%dma_start3A_117, %dma_start3A_118] : memref<1000000x64xf32, #tpu.memory_space<hbm>> -> memref<1000000x64xf32, #tpu.memory_space<hbm>>
    %dma_start3A_120 = tpu.memref_slice %arg7[%dma_start3A_109] : memref<2x!tpu.dma_semaphore, #tpu.memory_space<semaphore_mem>> -> memref<1x!tpu.dma_semaphore, #tpu.memory_space<semaphore_mem>>
    %dma_start3A_121 = tpu.memref_squeeze %dma_start3A_120 : memref<1x!tpu.dma_semaphore, #tpu.memory_space<semaphore_mem>> -> memref<!tpu.dma_semaphore, #tpu.memory_space<semaphore_mem>>
    tpu.enqueue_indirect_dma source(%dma_start3A_119 : memref<1000000x64xf32, #tpu.memory_space<hbm>>) target(%dma_start3A_113 : memref<128x64xf32, #tpu.memory_space<vmem>>) offsets(%dma_start3A_116 : memref<128xi32, #tpu.memory_space<vmem>>) semaphore(%dma_start3A_121 : memref<!tpu.dma_semaphore, #tpu.memory_space<semaphore_mem>>)
    %dma_wait3A = arith.constant 0 : i32
    %dma_wait3A_122 = arith.constant 0 : i32
    %dma_wait3A_123 = arith.constant 0 : i32
    %dma_wait3A_124 = arith.constant 0 : i32
    %dma_wait3A_125 = tpu.memref_slice %arg6[%dma_wait3A, %dma_wait3A_123, %dma_wait3A_124] : memref<2x512x64xf32, #tpu.memory_space<vmem>> -> memref<1x512x64xf32, #tpu.memory_space<vmem>>
    %dma_wait3A_126 = tpu.memref_squeeze %dma_wait3A_125 : memref<1x512x64xf32, #tpu.memory_space<vmem>> -> memref<512x64xf32, #tpu.memory_space<vmem>>
    %dma_wait3A_127 = arith.constant 0 : i32
    %dma_wait3A_128 = arith.constant 0 : i32
    %dma_wait3A_129 = tpu.memref_slice %arg2[%dma_wait3A_127, %dma_wait3A_128] : memref<1000000x64xf32, #tpu.memory_space<hbm>> -> memref<512x64xf32, #tpu.memory_space<hbm>>
    %dma_wait3A_130 = tpu.memref_slice %arg7[%dma_wait3A_122] : memref<2x!tpu.dma_semaphore, #tpu.memory_space<semaphore_mem>> -> memref<1x!tpu.dma_semaphore, #tpu.memory_space<semaphore_mem>>
    %dma_wait3A_131 = tpu.memref_squeeze %dma_wait3A_130 : memref<1x!tpu.dma_semaphore, #tpu.memory_space<semaphore_mem>> -> memref<!tpu.dma_semaphore, #tpu.memory_space<semaphore_mem>>
    %dma_wait3A_132 = arith.constant 0 : i32
    %dma_wait3A_133 = arith.constant 0 : i32
    %dma_wait3A_134 = tpu.memref_slice %arg6[%dma_wait3A, %dma_wait3A_132, %dma_wait3A_133] : memref<2x512x64xf32, #tpu.memory_space<vmem>> -> memref<1x512x64xf32, #tpu.memory_space<vmem>>
    %dma_wait3A_135 = tpu.memref_squeeze %dma_wait3A_134 : memref<1x512x64xf32, #tpu.memory_space<vmem>> -> memref<512x64xf32, #tpu.memory_space<vmem>>
    %dma_wait3A_136 = arith.constant 0 : i32
    %dma_wait3A_137 = arith.constant 0 : i32
    %dma_wait3A_138 = tpu.memref_slice %arg2[%dma_wait3A_136, %dma_wait3A_137] : memref<1000000x64xf32, #tpu.memory_space<hbm>> -> memref<512x64xf32, #tpu.memory_space<hbm>>
    tpu.wait_dma2 semaphore(%dma_wait3A_131 : memref<!tpu.dma_semaphore, #tpu.memory_space<semaphore_mem>>) src(%dma_wait3A_138 : memref<512x64xf32, #tpu.memory_space<hbm>>) dst(%dma_wait3A_135 : memref<512x64xf32, #tpu.memory_space<vmem>>)
    %add3A_139 = arith.constant 0 : i32
    %add3A_140 = arith.addi %mul3A_2, %add3A_139 : i32
    %dma_start3A_141 = arith.constant 0 : i32
    %dma_start3A_142 = arith.constant 0 : i32
    %dma_start3A_143 = arith.constant 0 : i32
    %dma_start3A_144 = arith.constant 0 : i32
    %dma_start3A_145 = tpu.memref_slice %arg6[%dma_start3A_141, %dma_start3A_143, %dma_start3A_144] : memref<2x512x64xf32, #tpu.memory_space<vmem>> -> memref<1x512x64xf32, #tpu.memory_space<vmem>>
    %dma_start3A_146 = tpu.memref_squeeze %dma_start3A_145 : memref<1x512x64xf32, #tpu.memory_space<vmem>> -> memref<512x64xf32, #tpu.memory_space<vmem>>
    %dma_start3A_147 = arith.constant 0 : i32
    %dma_start3A_148 = tpu.memref_slice %arg4[%add3A_140, %dma_start3A_147] : memref<819200x64xf32, #tpu.memory_space<hbm>> -> memref<512x64xf32, #tpu.memory_space<hbm>>
    %dma_start3A_149 = tpu.memref_slice %arg8[%dma_start3A_142] : memref<2x!tpu.dma_semaphore, #tpu.memory_space<semaphore_mem>> -> memref<1x!tpu.dma_semaphore, #tpu.memory_space<semaphore_mem>>
    %dma_start3A_150 = tpu.memref_squeeze %dma_start3A_149 : memref<1x!tpu.dma_semaphore, #tpu.memory_space<semaphore_mem>> -> memref<!tpu.dma_semaphore, #tpu.memory_space<semaphore_mem>>
    %dma_start3A_151 = arith.constant 0 : i32
    %dma_start3A_152 = tpu.memref_slice %arg4[%add3A_140, %dma_start3A_151] : memref<819200x64xf32, #tpu.memory_space<hbm>> -> memref<512x64xf32, #tpu.memory_space<hbm>>
    %dma_start3A_153 = arith.constant 0 : i32
    %dma_start3A_154 = arith.constant 0 : i32
    %dma_start3A_155 = tpu.memref_slice %arg6[%dma_start3A_141, %dma_start3A_153, %dma_start3A_154] : memref<2x512x64xf32, #tpu.memory_space<vmem>> -> memref<1x512x64xf32, #tpu.memory_space<vmem>>
    %dma_start3A_156 = tpu.memref_squeeze %dma_start3A_155 : memref<1x512x64xf32, #tpu.memory_space<vmem>> -> memref<512x64xf32, #tpu.memory_space<vmem>>
    tpu.enqueue_dma source(%dma_start3A_156 : memref<512x64xf32, #tpu.memory_space<vmem>>) target(%dma_start3A_152 : memref<512x64xf32, #tpu.memory_space<hbm>>) target_semaphore(%dma_start3A_150 : memref<!tpu.dma_semaphore, #tpu.memory_space<semaphore_mem>>)
    %scan3A = arith.constant 0 : i32
    %scan3A_157 = arith.constant 0 : i32
    %scan3A_158 = arith.constant 24 : i32
    %scan3A_159 = arith.addi %scan3A_157, %scan3A_158 : i32
    %scan3A_160 = arith.constant 1 : i32
    scf.for %scan3A_230 = %scan3A_157 to %scan3A_159 step %scan3A_160  : i32 {
      %mul3A_231 = arith.constant 2 : i32
      %mul3A_232 = arith.muli %mul3A_231, %scan3A_230 : i32
      %add3A_233 = arith.constant 1 : i32
      %add3A_234 = arith.addi %mul3A_232, %add3A_233 : i32
      %dma_wait3A_235 = arith.constant 0 : i32
      %dma_wait3A_236 = arith.constant 0 : i32
      %dma_wait3A_237 = arith.constant 0 : i32
      %dma_wait3A_238 = arith.constant 0 : i32
      %dma_wait3A_239 = tpu.memref_slice %arg6[%dma_wait3A_235, %dma_wait3A_237, %dma_wait3A_238] : memref<2x512x64xf32, #tpu.memory_space<vmem>> -> memref<1x512x64xf32, #tpu.memory_space<vmem>>
      %dma_wait3A_240 = tpu.memref_squeeze %dma_wait3A_239 : memref<1x512x64xf32, #tpu.memory_space<vmem>> -> memref<512x64xf32, #tpu.memory_space<vmem>>
      %dma_wait3A_241 = arith.constant 0 : i32
      %dma_wait3A_242 = tpu.memref_slice %arg4[%mul3A_2, %dma_wait3A_241] : memref<819200x64xf32, #tpu.memory_space<hbm>> -> memref<512x64xf32, #tpu.memory_space<hbm>>
      %dma_wait3A_243 = tpu.memref_slice %arg8[%dma_wait3A_236] : memref<2x!tpu.dma_semaphore, #tpu.memory_space<semaphore_mem>> -> memref<1x!tpu.dma_semaphore, #tpu.memory_space<semaphore_mem>>
      %dma_wait3A_244 = tpu.memref_squeeze %dma_wait3A_243 : memref<1x!tpu.dma_semaphore, #tpu.memory_space<semaphore_mem>> -> memref<!tpu.dma_semaphore, #tpu.memory_space<semaphore_mem>>
      %dma_wait3A_245 = arith.constant 0 : i32
      %dma_wait3A_246 = tpu.memref_slice %arg4[%mul3A_2, %dma_wait3A_245] : memref<819200x64xf32, #tpu.memory_space<hbm>> -> memref<512x64xf32, #tpu.memory_space<hbm>>
      %dma_wait3A_247 = arith.constant 0 : i32
      %dma_wait3A_248 = arith.constant 0 : i32
      %dma_wait3A_249 = tpu.memref_slice %arg6[%dma_wait3A_235, %dma_wait3A_247, %dma_wait3A_248] : memref<2x512x64xf32, #tpu.memory_space<vmem>> -> memref<1x512x64xf32, #tpu.memory_space<vmem>>
      %dma_wait3A_250 = tpu.memref_squeeze %dma_wait3A_249 : memref<1x512x64xf32, #tpu.memory_space<vmem>> -> memref<512x64xf32, #tpu.memory_space<vmem>>
      tpu.wait_dma2 semaphore(%dma_wait3A_244 : memref<!tpu.dma_semaphore, #tpu.memory_space<semaphore_mem>>) src(%dma_wait3A_250 : memref<512x64xf32, #tpu.memory_space<vmem>>) dst(%dma_wait3A_246 : memref<512x64xf32, #tpu.memory_space<hbm>>)
      %add3A_251 = arith.constant 1 : i32
      %add3A_252 = arith.addi %add3A_234, %add3A_251 : i32
      %mul3A_253 = arith.constant 4 : i32
      %mul3A_254 = arith.muli %add3A_252, %mul3A_253 : i32
      %add3A_255 = arith.constant 0 : i32
      %add3A_256 = arith.addi %mul3A_254, %add3A_255 : i32
      %dma_start3A_257 = arith.constant 0 : i32
      %dma_start3A_258 = arith.constant 0 : i32
      %dma_start3A_259 = arith.constant 0 : i32
      %dma_start3A_260 = arith.constant 0 : i32
      %dma_start3A_261 = tpu.memref_slice %arg6[%dma_start3A_257, %dma_start3A_259, %dma_start3A_260] : memref<2x512x64xf32, #tpu.memory_space<vmem>> -> memref<1x128x64xf32, #tpu.memory_space<vmem>>
      %dma_start3A_262 = tpu.memref_squeeze %dma_start3A_261 : memref<1x128x64xf32, #tpu.memory_space<vmem>> -> memref<128x64xf32, #tpu.memory_space<vmem>>
      %dma_start3A_263 = arith.constant 0 : i32
      %dma_start3A_264 = tpu.memref_slice %arg5[%add3A_256, %dma_start3A_263] : memref<200x128xi32, #tpu.memory_space<vmem>> -> memref<1x128xi32, #tpu.memory_space<vmem>>
      %dma_start3A_265 = tpu.memref_squeeze %dma_start3A_264 : memref<1x128xi32, #tpu.memory_space<vmem>> -> memref<128xi32, #tpu.memory_space<vmem>>
      %dma_start3A_266 = arith.constant 0 : i32
      %dma_start3A_267 = arith.constant 0 : i32
      %dma_start3A_268 = tpu.memref_slice %arg2[%dma_start3A_266, %dma_start3A_267] : memref<1000000x64xf32, #tpu.memory_space<hbm>> -> memref<1000000x64xf32, #tpu.memory_space<hbm>>
      %dma_start3A_269 = tpu.memref_slice %arg7[%dma_start3A_258] : memref<2x!tpu.dma_semaphore, #tpu.memory_space<semaphore_mem>> -> memref<1x!tpu.dma_semaphore, #tpu.memory_space<semaphore_mem>>
      %dma_start3A_270 = tpu.memref_squeeze %dma_start3A_269 : memref<1x!tpu.dma_semaphore, #tpu.memory_space<semaphore_mem>> -> memref<!tpu.dma_semaphore, #tpu.memory_space<semaphore_mem>>
      tpu.enqueue_indirect_dma source(%dma_start3A_268 : memref<1000000x64xf32, #tpu.memory_space<hbm>>) target(%dma_start3A_262 : memref<128x64xf32, #tpu.memory_space<vmem>>) offsets(%dma_start3A_265 : memref<128xi32, #tpu.memory_space<vmem>>) semaphore(%dma_start3A_270 : memref<!tpu.dma_semaphore, #tpu.memory_space<semaphore_mem>>)
      %mul3A_271 = arith.constant 4 : i32
      %mul3A_272 = arith.muli %add3A_252, %mul3A_271 : i32
      %add3A_273 = arith.constant 1 : i32
      %add3A_274 = arith.addi %mul3A_272, %add3A_273 : i32
      %dma_start3A_275 = arith.constant 0 : i32
      %dma_start3A_276 = arith.constant 0 : i32
      %dma_start3A_277 = arith.constant 128 : i32
      %dma_start3A_278 = arith.constant 0 : i32
      %dma_start3A_279 = tpu.memref_slice %arg6[%dma_start3A_275, %dma_start3A_277, %dma_start3A_278] : memref<2x512x64xf32, #tpu.memory_space<vmem>> -> memref<1x128x64xf32, #tpu.memory_space<vmem>>
      %dma_start3A_280 = tpu.memref_squeeze %dma_start3A_279 : memref<1x128x64xf32, #tpu.memory_space<vmem>> -> memref<128x64xf32, #tpu.memory_space<vmem>>
      %dma_start3A_281 = arith.constant 0 : i32
      %dma_start3A_282 = tpu.memref_slice %arg5[%add3A_274, %dma_start3A_281] : memref<200x128xi32, #tpu.memory_space<vmem>> -> memref<1x128xi32, #tpu.memory_space<vmem>>
      %dma_start3A_283 = tpu.memref_squeeze %dma_start3A_282 : memref<1x128xi32, #tpu.memory_space<vmem>> -> memref<128xi32, #tpu.memory_space<vmem>>
      %dma_start3A_284 = arith.constant 0 : i32
      %dma_start3A_285 = arith.constant 0 : i32
      %dma_start3A_286 = tpu.memref_slice %arg2[%dma_start3A_284, %dma_start3A_285] : memref<1000000x64xf32, #tpu.memory_space<hbm>> -> memref<1000000x64xf32, #tpu.memory_space<hbm>>
      %dma_start3A_287 = tpu.memref_slice %arg7[%dma_start3A_276] : memref<2x!tpu.dma_semaphore, #tpu.memory_space<semaphore_mem>> -> memref<1x!tpu.dma_semaphore, #tpu.memory_space<semaphore_mem>>
      %dma_start3A_288 = tpu.memref_squeeze %dma_start3A_287 : memref<1x!tpu.dma_semaphore, #tpu.memory_space<semaphore_mem>> -> memref<!tpu.dma_semaphore, #tpu.memory_space<semaphore_mem>>
      tpu.enqueue_indirect_dma source(%dma_start3A_286 : memref<1000000x64xf32, #tpu.memory_space<hbm>>) target(%dma_start3A_280 : memref<128x64xf32, #tpu.memory_space<vmem>>) offsets(%dma_start3A_283 : memref<128xi32, #tpu.memory_space<vmem>>) semaphore(%dma_start3A_288 : memref<!tpu.dma_semaphore, #tpu.memory_space<semaphore_mem>>)
      %mul3A_289 = arith.constant 4 : i32
      %mul3A_290 = arith.muli %add3A_252, %mul3A_289 : i32
      %add3A_291 = arith.constant 2 : i32
      %add3A_292 = arith.addi %mul3A_290, %add3A_291 : i32
      %dma_start3A_293 = arith.constant 0 : i32
      %dma_start3A_294 = arith.constant 0 : i32
      %dma_start3A_295 = arith.constant 256 : i32
      %dma_start3A_296 = arith.constant 0 : i32
      %dma_start3A_297 = tpu.memref_slice %arg6[%dma_start3A_293, %dma_start3A_295, %dma_start3A_296] : memref<2x512x64xf32, #tpu.memory_space<vmem>> -> memref<1x128x64xf32, #tpu.memory_space<vmem>>
      %dma_start3A_298 = tpu.memref_squeeze %dma_start3A_297 : memref<1x128x64xf32, #tpu.memory_space<vmem>> -> memref<128x64xf32, #tpu.memory_space<vmem>>
      %dma_start3A_299 = arith.constant 0 : i32
      %dma_start3A_300 = tpu.memref_slice %arg5[%add3A_292, %dma_start3A_299] : memref<200x128xi32, #tpu.memory_space<vmem>> -> memref<1x128xi32, #tpu.memory_space<vmem>>
      %dma_start3A_301 = tpu.memref_squeeze %dma_start3A_300 : memref<1x128xi32, #tpu.memory_space<vmem>> -> memref<128xi32, #tpu.memory_space<vmem>>
      %dma_start3A_302 = arith.constant 0 : i32
      %dma_start3A_303 = arith.constant 0 : i32
      %dma_start3A_304 = tpu.memref_slice %arg2[%dma_start3A_302, %dma_start3A_303] : memref<1000000x64xf32, #tpu.memory_space<hbm>> -> memref<1000000x64xf32, #tpu.memory_space<hbm>>
      %dma_start3A_305 = tpu.memref_slice %arg7[%dma_start3A_294] : memref<2x!tpu.dma_semaphore, #tpu.memory_space<semaphore_mem>> -> memref<1x!tpu.dma_semaphore, #tpu.memory_space<semaphore_mem>>
      %dma_start3A_306 = tpu.memref_squeeze %dma_start3A_305 : memref<1x!tpu.dma_semaphore, #tpu.memory_space<semaphore_mem>> -> memref<!tpu.dma_semaphore, #tpu.memory_space<semaphore_mem>>
      tpu.enqueue_indirect_dma source(%dma_start3A_304 : memref<1000000x64xf32, #tpu.memory_space<hbm>>) target(%dma_start3A_298 : memref<128x64xf32, #tpu.memory_space<vmem>>) offsets(%dma_start3A_301 : memref<128xi32, #tpu.memory_space<vmem>>) semaphore(%dma_start3A_306 : memref<!tpu.dma_semaphore, #tpu.memory_space<semaphore_mem>>)
      %mul3A_307 = arith.constant 4 : i32
      %mul3A_308 = arith.muli %add3A_252, %mul3A_307 : i32
      %add3A_309 = arith.constant 3 : i32
      %add3A_310 = arith.addi %mul3A_308, %add3A_309 : i32
      %dma_start3A_311 = arith.constant 0 : i32
      %dma_start3A_312 = arith.constant 0 : i32
      %dma_start3A_313 = arith.constant 384 : i32
      %dma_start3A_314 = arith.constant 0 : i32
      %dma_start3A_315 = tpu.memref_slice %arg6[%dma_start3A_311, %dma_start3A_313, %dma_start3A_314] : memref<2x512x64xf32, #tpu.memory_space<vmem>> -> memref<1x128x64xf32, #tpu.memory_space<vmem>>
      %dma_start3A_316 = tpu.memref_squeeze %dma_start3A_315 : memref<1x128x64xf32, #tpu.memory_space<vmem>> -> memref<128x64xf32, #tpu.memory_space<vmem>>
      %dma_start3A_317 = arith.constant 0 : i32
      %dma_start3A_318 = tpu.memref_slice %arg5[%add3A_310, %dma_start3A_317] : memref<200x128xi32, #tpu.memory_space<vmem>> -> memref<1x128xi32, #tpu.memory_space<vmem>>
      %dma_start3A_319 = tpu.memref_squeeze %dma_start3A_318 : memref<1x128xi32, #tpu.memory_space<vmem>> -> memref<128xi32, #tpu.memory_space<vmem>>
      %dma_start3A_320 = arith.constant 0 : i32
      %dma_start3A_321 = arith.constant 0 : i32
      %dma_start3A_322 = tpu.memref_slice %arg2[%dma_start3A_320, %dma_start3A_321] : memref<1000000x64xf32, #tpu.memory_space<hbm>> -> memref<1000000x64xf32, #tpu.memory_space<hbm>>
      %dma_start3A_323 = tpu.memref_slice %arg7[%dma_start3A_312] : memref<2x!tpu.dma_semaphore, #tpu.memory_space<semaphore_mem>> -> memref<1x!tpu.dma_semaphore, #tpu.memory_space<semaphore_mem>>
      %dma_start3A_324 = tpu.memref_squeeze %dma_start3A_323 : memref<1x!tpu.dma_semaphore, #tpu.memory_space<semaphore_mem>> -> memref<!tpu.dma_semaphore, #tpu.memory_space<semaphore_mem>>
      tpu.enqueue_indirect_dma source(%dma_start3A_322 : memref<1000000x64xf32, #tpu.memory_space<hbm>>) target(%dma_start3A_316 : memref<128x64xf32, #tpu.memory_space<vmem>>) offsets(%dma_start3A_319 : memref<128xi32, #tpu.memory_space<vmem>>) semaphore(%dma_start3A_324 : memref<!tpu.dma_semaphore, #tpu.memory_space<semaphore_mem>>)
      %dma_wait3A_325 = arith.constant 1 : i32
      %dma_wait3A_326 = arith.constant 1 : i32
      %dma_wait3A_327 = arith.constant 0 : i32
      %dma_wait3A_328 = arith.constant 0 : i32
      %dma_wait3A_329 = tpu.memref_slice %arg6[%dma_wait3A_325, %dma_wait3A_327, %dma_wait3A_328] : memref<2x512x64xf32, #tpu.memory_space<vmem>> -> memref<1x512x64xf32, #tpu.memory_space<vmem>>
      %dma_wait3A_330 = tpu.memref_squeeze %dma_wait3A_329 : memref<1x512x64xf32, #tpu.memory_space<vmem>> -> memref<512x64xf32, #tpu.memory_space<vmem>>
      %dma_wait3A_331 = arith.constant 0 : i32
      %dma_wait3A_332 = arith.constant 0 : i32
      %dma_wait3A_333 = tpu.memref_slice %arg2[%dma_wait3A_331, %dma_wait3A_332] : memref<1000000x64xf32, #tpu.memory_space<hbm>> -> memref<512x64xf32, #tpu.memory_space<hbm>>
      %dma_wait3A_334 = tpu.memref_slice %arg7[%dma_wait3A_326] : memref<2x!tpu.dma_semaphore, #tpu.memory_space<semaphore_mem>> -> memref<1x!tpu.dma_semaphore, #tpu.memory_space<semaphore_mem>>
      %dma_wait3A_335 = tpu.memref_squeeze %dma_wait3A_334 : memref<1x!tpu.dma_semaphore, #tpu.memory_space<semaphore_mem>> -> memref<!tpu.dma_semaphore, #tpu.memory_space<semaphore_mem>>
      %dma_wait3A_336 = arith.constant 0 : i32
      %dma_wait3A_337 = arith.constant 0 : i32
      %dma_wait3A_338 = tpu.memref_slice %arg6[%dma_wait3A_325, %dma_wait3A_336, %dma_wait3A_337] : memref<2x512x64xf32, #tpu.memory_space<vmem>> -> memref<1x512x64xf32, #tpu.memory_space<vmem>>
      %dma_wait3A_339 = tpu.memref_squeeze %dma_wait3A_338 : memref<1x512x64xf32, #tpu.memory_space<vmem>> -> memref<512x64xf32, #tpu.memory_space<vmem>>
      %dma_wait3A_340 = arith.constant 0 : i32
      %dma_wait3A_341 = arith.constant 0 : i32
      %dma_wait3A_342 = tpu.memref_slice %arg2[%dma_wait3A_340, %dma_wait3A_341] : memref<1000000x64xf32, #tpu.memory_space<hbm>> -> memref<512x64xf32, #tpu.memory_space<hbm>>
      tpu.wait_dma2 semaphore(%dma_wait3A_335 : memref<!tpu.dma_semaphore, #tpu.memory_space<semaphore_mem>>) src(%dma_wait3A_342 : memref<512x64xf32, #tpu.memory_space<hbm>>) dst(%dma_wait3A_339 : memref<512x64xf32, #tpu.memory_space<vmem>>)
      %mul3A_343 = arith.constant 512 : i32
      %mul3A_344 = arith.muli %add3A_234, %mul3A_343 : i32
      %add3A_345 = arith.addi %mul3A_2, %mul3A_344 : i32
      %dma_start3A_346 = arith.constant 1 : i32
      %dma_start3A_347 = arith.constant 1 : i32
      %dma_start3A_348 = arith.constant 0 : i32
      %dma_start3A_349 = arith.constant 0 : i32
      %dma_start3A_350 = tpu.memref_slice %arg6[%dma_start3A_346, %dma_start3A_348, %dma_start3A_349] : memref<2x512x64xf32, #tpu.memory_space<vmem>> -> memref<1x512x64xf32, #tpu.memory_space<vmem>>
      %dma_start3A_351 = tpu.memref_squeeze %dma_start3A_350 : memref<1x512x64xf32, #tpu.memory_space<vmem>> -> memref<512x64xf32, #tpu.memory_space<vmem>>
      %dma_start3A_352 = arith.constant 0 : i32
      %dma_start3A_353 = tpu.memref_slice %arg4[%add3A_345, %dma_start3A_352] : memref<819200x64xf32, #tpu.memory_space<hbm>> -> memref<512x64xf32, #tpu.memory_space<hbm>>
      %dma_start3A_354 = tpu.memref_slice %arg8[%dma_start3A_347] : memref<2x!tpu.dma_semaphore, #tpu.memory_space<semaphore_mem>> -> memref<1x!tpu.dma_semaphore, #tpu.memory_space<semaphore_mem>>
      %dma_start3A_355 = tpu.memref_squeeze %dma_start3A_354 : memref<1x!tpu.dma_semaphore, #tpu.memory_space<semaphore_mem>> -> memref<!tpu.dma_semaphore, #tpu.memory_space<semaphore_mem>>
      %dma_start3A_356 = arith.constant 0 : i32
      %dma_start3A_357 = tpu.memref_slice %arg4[%add3A_345, %dma_start3A_356] : memref<819200x64xf32, #tpu.memory_space<hbm>> -> memref<512x64xf32, #tpu.memory_space<hbm>>
      %dma_start3A_358 = arith.constant 0 : i32
      %dma_start3A_359 = arith.constant 0 : i32
      %dma_start3A_360 = tpu.memref_slice %arg6[%dma_start3A_346, %dma_start3A_358, %dma_start3A_359] : memref<2x512x64xf32, #tpu.memory_space<vmem>> -> memref<1x512x64xf32, #tpu.memory_space<vmem>>
      %dma_start3A_361 = tpu.memref_squeeze %dma_start3A_360 : memref<1x512x64xf32, #tpu.memory_space<vmem>> -> memref<512x64xf32, #tpu.memory_space<vmem>>
      tpu.enqueue_dma source(%dma_start3A_361 : memref<512x64xf32, #tpu.memory_space<vmem>>) target(%dma_start3A_357 : memref<512x64xf32, #tpu.memory_space<hbm>>) target_semaphore(%dma_start3A_355 : memref<!tpu.dma_semaphore, #tpu.memory_space<semaphore_mem>>)
      %dma_wait3A_362 = arith.constant 1 : i32
      %dma_wait3A_363 = arith.constant 1 : i32
      %dma_wait3A_364 = arith.constant 0 : i32
      %dma_wait3A_365 = arith.constant 0 : i32
      %dma_wait3A_366 = tpu.memref_slice %arg6[%dma_wait3A_362, %dma_wait3A_364, %dma_wait3A_365] : memref<2x512x64xf32, #tpu.memory_space<vmem>> -> memref<1x512x64xf32, #tpu.memory_space<vmem>>
      %dma_wait3A_367 = tpu.memref_squeeze %dma_wait3A_366 : memref<1x512x64xf32, #tpu.memory_space<vmem>> -> memref<512x64xf32, #tpu.memory_space<vmem>>
      %dma_wait3A_368 = arith.constant 0 : i32
      %dma_wait3A_369 = tpu.memref_slice %arg4[%mul3A_2, %dma_wait3A_368] : memref<819200x64xf32, #tpu.memory_space<hbm>> -> memref<512x64xf32, #tpu.memory_space<hbm>>
      %dma_wait3A_370 = tpu.memref_slice %arg8[%dma_wait3A_363] : memref<2x!tpu.dma_semaphore, #tpu.memory_space<semaphore_mem>> -> memref<1x!tpu.dma_semaphore, #tpu.memory_space<semaphore_mem>>
      %dma_wait3A_371 = tpu.memref_squeeze %dma_wait3A_370 : memref<1x!tpu.dma_semaphore, #tpu.memory_space<semaphore_mem>> -> memref<!tpu.dma_semaphore, #tpu.memory_space<semaphore_mem>>
      %dma_wait3A_372 = arith.constant 0 : i32
      %dma_wait3A_373 = tpu.memref_slice %arg4[%mul3A_2, %dma_wait3A_372] : memref<819200x64xf32, #tpu.memory_space<hbm>> -> memref<512x64xf32, #tpu.memory_space<hbm>>
      %dma_wait3A_374 = arith.constant 0 : i32
      %dma_wait3A_375 = arith.constant 0 : i32
      %dma_wait3A_376 = tpu.memref_slice %arg6[%dma_wait3A_362, %dma_wait3A_374, %dma_wait3A_375] : memref<2x512x64xf32, #tpu.memory_space<vmem>> -> memref<1x512x64xf32, #tpu.memory_space<vmem>>
      %dma_wait3A_377 = tpu.memref_squeeze %dma_wait3A_376 : memref<1x512x64xf32, #tpu.memory_space<vmem>> -> memref<512x64xf32, #tpu.memory_space<vmem>>
      tpu.wait_dma2 semaphore(%dma_wait3A_371 : memref<!tpu.dma_semaphore, #tpu.memory_space<semaphore_mem>>) src(%dma_wait3A_377 : memref<512x64xf32, #tpu.memory_space<vmem>>) dst(%dma_wait3A_373 : memref<512x64xf32, #tpu.memory_space<hbm>>)
      %add3A_378 = arith.constant 2 : i32
      %add3A_379 = arith.addi %add3A_234, %add3A_378 : i32
      %mul3A_380 = arith.constant 4 : i32
      %mul3A_381 = arith.muli %add3A_379, %mul3A_380 : i32
      %add3A_382 = arith.constant 0 : i32
      %add3A_383 = arith.addi %mul3A_381, %add3A_382 : i32
      %dma_start3A_384 = arith.constant 1 : i32
      %dma_start3A_385 = arith.constant 1 : i32
      %dma_start3A_386 = arith.constant 0 : i32
      %dma_start3A_387 = arith.constant 0 : i32
      %dma_start3A_388 = tpu.memref_slice %arg6[%dma_start3A_384, %dma_start3A_386, %dma_start3A_387] : memref<2x512x64xf32, #tpu.memory_space<vmem>> -> memref<1x128x64xf32, #tpu.memory_space<vmem>>
      %dma_start3A_389 = tpu.memref_squeeze %dma_start3A_388 : memref<1x128x64xf32, #tpu.memory_space<vmem>> -> memref<128x64xf32, #tpu.memory_space<vmem>>
      %dma_start3A_390 = arith.constant 0 : i32
      %dma_start3A_391 = tpu.memref_slice %arg5[%add3A_383, %dma_start3A_390] : memref<200x128xi32, #tpu.memory_space<vmem>> -> memref<1x128xi32, #tpu.memory_space<vmem>>
      %dma_start3A_392 = tpu.memref_squeeze %dma_start3A_391 : memref<1x128xi32, #tpu.memory_space<vmem>> -> memref<128xi32, #tpu.memory_space<vmem>>
      %dma_start3A_393 = arith.constant 0 : i32
      %dma_start3A_394 = arith.constant 0 : i32
      %dma_start3A_395 = tpu.memref_slice %arg2[%dma_start3A_393, %dma_start3A_394] : memref<1000000x64xf32, #tpu.memory_space<hbm>> -> memref<1000000x64xf32, #tpu.memory_space<hbm>>
      %dma_start3A_396 = tpu.memref_slice %arg7[%dma_start3A_385] : memref<2x!tpu.dma_semaphore, #tpu.memory_space<semaphore_mem>> -> memref<1x!tpu.dma_semaphore, #tpu.memory_space<semaphore_mem>>
      %dma_start3A_397 = tpu.memref_squeeze %dma_start3A_396 : memref<1x!tpu.dma_semaphore, #tpu.memory_space<semaphore_mem>> -> memref<!tpu.dma_semaphore, #tpu.memory_space<semaphore_mem>>
      tpu.enqueue_indirect_dma source(%dma_start3A_395 : memref<1000000x64xf32, #tpu.memory_space<hbm>>) target(%dma_start3A_389 : memref<128x64xf32, #tpu.memory_space<vmem>>) offsets(%dma_start3A_392 : memref<128xi32, #tpu.memory_space<vmem>>) semaphore(%dma_start3A_397 : memref<!tpu.dma_semaphore, #tpu.memory_space<semaphore_mem>>)
      %mul3A_398 = arith.constant 4 : i32
      %mul3A_399 = arith.muli %add3A_379, %mul3A_398 : i32
      %add3A_400 = arith.constant 1 : i32
      %add3A_401 = arith.addi %mul3A_399, %add3A_400 : i32
      %dma_start3A_402 = arith.constant 1 : i32
      %dma_start3A_403 = arith.constant 1 : i32
      %dma_start3A_404 = arith.constant 128 : i32
      %dma_start3A_405 = arith.constant 0 : i32
      %dma_start3A_406 = tpu.memref_slice %arg6[%dma_start3A_402, %dma_start3A_404, %dma_start3A_405] : memref<2x512x64xf32, #tpu.memory_space<vmem>> -> memref<1x128x64xf32, #tpu.memory_space<vmem>>
      %dma_start3A_407 = tpu.memref_squeeze %dma_start3A_406 : memref<1x128x64xf32, #tpu.memory_space<vmem>> -> memref<128x64xf32, #tpu.memory_space<vmem>>
      %dma_start3A_408 = arith.constant 0 : i32
      %dma_start3A_409 = tpu.memref_slice %arg5[%add3A_401, %dma_start3A_408] : memref<200x128xi32, #tpu.memory_space<vmem>> -> memref<1x128xi32, #tpu.memory_space<vmem>>
      %dma_start3A_410 = tpu.memref_squeeze %dma_start3A_409 : memref<1x128xi32, #tpu.memory_space<vmem>> -> memref<128xi32, #tpu.memory_space<vmem>>
      %dma_start3A_411 = arith.constant 0 : i32
      %dma_start3A_412 = arith.constant 0 : i32
      %dma_start3A_413 = tpu.memref_slice %arg2[%dma_start3A_411, %dma_start3A_412] : memref<1000000x64xf32, #tpu.memory_space<hbm>> -> memref<1000000x64xf32, #tpu.memory_space<hbm>>
      %dma_start3A_414 = tpu.memref_slice %arg7[%dma_start3A_403] : memref<2x!tpu.dma_semaphore, #tpu.memory_space<semaphore_mem>> -> memref<1x!tpu.dma_semaphore, #tpu.memory_space<semaphore_mem>>
      %dma_start3A_415 = tpu.memref_squeeze %dma_start3A_414 : memref<1x!tpu.dma_semaphore, #tpu.memory_space<semaphore_mem>> -> memref<!tpu.dma_semaphore, #tpu.memory_space<semaphore_mem>>
      tpu.enqueue_indirect_dma source(%dma_start3A_413 : memref<1000000x64xf32, #tpu.memory_space<hbm>>) target(%dma_start3A_407 : memref<128x64xf32, #tpu.memory_space<vmem>>) offsets(%dma_start3A_410 : memref<128xi32, #tpu.memory_space<vmem>>) semaphore(%dma_start3A_415 : memref<!tpu.dma_semaphore, #tpu.memory_space<semaphore_mem>>)
      %mul3A_416 = arith.constant 4 : i32
      %mul3A_417 = arith.muli %add3A_379, %mul3A_416 : i32
      %add3A_418 = arith.constant 2 : i32
      %add3A_419 = arith.addi %mul3A_417, %add3A_418 : i32
      %dma_start3A_420 = arith.constant 1 : i32
      %dma_start3A_421 = arith.constant 1 : i32
      %dma_start3A_422 = arith.constant 256 : i32
      %dma_start3A_423 = arith.constant 0 : i32
      %dma_start3A_424 = tpu.memref_slice %arg6[%dma_start3A_420, %dma_start3A_422, %dma_start3A_423] : memref<2x512x64xf32, #tpu.memory_space<vmem>> -> memref<1x128x64xf32, #tpu.memory_space<vmem>>
      %dma_start3A_425 = tpu.memref_squeeze %dma_start3A_424 : memref<1x128x64xf32, #tpu.memory_space<vmem>> -> memref<128x64xf32, #tpu.memory_space<vmem>>
      %dma_start3A_426 = arith.constant 0 : i32
      %dma_start3A_427 = tpu.memref_slice %arg5[%add3A_419, %dma_start3A_426] : memref<200x128xi32, #tpu.memory_space<vmem>> -> memref<1x128xi32, #tpu.memory_space<vmem>>
      %dma_start3A_428 = tpu.memref_squeeze %dma_start3A_427 : memref<1x128xi32, #tpu.memory_space<vmem>> -> memref<128xi32, #tpu.memory_space<vmem>>
      %dma_start3A_429 = arith.constant 0 : i32
      %dma_start3A_430 = arith.constant 0 : i32
      %dma_start3A_431 = tpu.memref_slice %arg2[%dma_start3A_429, %dma_start3A_430] : memref<1000000x64xf32, #tpu.memory_space<hbm>> -> memref<1000000x64xf32, #tpu.memory_space<hbm>>
      %dma_start3A_432 = tpu.memref_slice %arg7[%dma_start3A_421] : memref<2x!tpu.dma_semaphore, #tpu.memory_space<semaphore_mem>> -> memref<1x!tpu.dma_semaphore, #tpu.memory_space<semaphore_mem>>
      %dma_start3A_433 = tpu.memref_squeeze %dma_start3A_432 : memref<1x!tpu.dma_semaphore, #tpu.memory_space<semaphore_mem>> -> memref<!tpu.dma_semaphore, #tpu.memory_space<semaphore_mem>>
      tpu.enqueue_indirect_dma source(%dma_start3A_431 : memref<1000000x64xf32, #tpu.memory_space<hbm>>) target(%dma_start3A_425 : memref<128x64xf32, #tpu.memory_space<vmem>>) offsets(%dma_start3A_428 : memref<128xi32, #tpu.memory_space<vmem>>) semaphore(%dma_start3A_433 : memref<!tpu.dma_semaphore, #tpu.memory_space<semaphore_mem>>)
      %mul3A_434 = arith.constant 4 : i32
      %mul3A_435 = arith.muli %add3A_379, %mul3A_434 : i32
      %add3A_436 = arith.constant 3 : i32
      %add3A_437 = arith.addi %mul3A_435, %add3A_436 : i32
      %dma_start3A_438 = arith.constant 1 : i32
      %dma_start3A_439 = arith.constant 1 : i32
      %dma_start3A_440 = arith.constant 384 : i32
      %dma_start3A_441 = arith.constant 0 : i32
      %dma_start3A_442 = tpu.memref_slice %arg6[%dma_start3A_438, %dma_start3A_440, %dma_start3A_441] : memref<2x512x64xf32, #tpu.memory_space<vmem>> -> memref<1x128x64xf32, #tpu.memory_space<vmem>>
      %dma_start3A_443 = tpu.memref_squeeze %dma_start3A_442 : memref<1x128x64xf32, #tpu.memory_space<vmem>> -> memref<128x64xf32, #tpu.memory_space<vmem>>
      %dma_start3A_444 = arith.constant 0 : i32
      %dma_start3A_445 = tpu.memref_slice %arg5[%add3A_437, %dma_start3A_444] : memref<200x128xi32, #tpu.memory_space<vmem>> -> memref<1x128xi32, #tpu.memory_space<vmem>>
      %dma_start3A_446 = tpu.memref_squeeze %dma_start3A_445 : memref<1x128xi32, #tpu.memory_space<vmem>> -> memref<128xi32, #tpu.memory_space<vmem>>
      %dma_start3A_447 = arith.constant 0 : i32
      %dma_start3A_448 = arith.constant 0 : i32
      %dma_start3A_449 = tpu.memref_slice %arg2[%dma_start3A_447, %dma_start3A_448] : memref<1000000x64xf32, #tpu.memory_space<hbm>> -> memref<1000000x64xf32, #tpu.memory_space<hbm>>
      %dma_start3A_450 = tpu.memref_slice %arg7[%dma_start3A_439] : memref<2x!tpu.dma_semaphore, #tpu.memory_space<semaphore_mem>> -> memref<1x!tpu.dma_semaphore, #tpu.memory_space<semaphore_mem>>
      %dma_start3A_451 = tpu.memref_squeeze %dma_start3A_450 : memref<1x!tpu.dma_semaphore, #tpu.memory_space<semaphore_mem>> -> memref<!tpu.dma_semaphore, #tpu.memory_space<semaphore_mem>>
      tpu.enqueue_indirect_dma source(%dma_start3A_449 : memref<1000000x64xf32, #tpu.memory_space<hbm>>) target(%dma_start3A_443 : memref<128x64xf32, #tpu.memory_space<vmem>>) offsets(%dma_start3A_446 : memref<128xi32, #tpu.memory_space<vmem>>) semaphore(%dma_start3A_451 : memref<!tpu.dma_semaphore, #tpu.memory_space<semaphore_mem>>)
      %dma_wait3A_452 = arith.constant 0 : i32
      %dma_wait3A_453 = arith.constant 0 : i32
      %dma_wait3A_454 = arith.constant 0 : i32
      %dma_wait3A_455 = arith.constant 0 : i32
      %dma_wait3A_456 = tpu.memref_slice %arg6[%dma_wait3A_452, %dma_wait3A_454, %dma_wait3A_455] : memref<2x512x64xf32, #tpu.memory_space<vmem>> -> memref<1x512x64xf32, #tpu.memory_space<vmem>>
      %dma_wait3A_457 = tpu.memref_squeeze %dma_wait3A_456 : memref<1x512x64xf32, #tpu.memory_space<vmem>> -> memref<512x64xf32, #tpu.memory_space<vmem>>
      %dma_wait3A_458 = arith.constant 0 : i32
      %dma_wait3A_459 = arith.constant 0 : i32
      %dma_wait3A_460 = tpu.memref_slice %arg2[%dma_wait3A_458, %dma_wait3A_459] : memref<1000000x64xf32, #tpu.memory_space<hbm>> -> memref<512x64xf32, #tpu.memory_space<hbm>>
      %dma_wait3A_461 = tpu.memref_slice %arg7[%dma_wait3A_453] : memref<2x!tpu.dma_semaphore, #tpu.memory_space<semaphore_mem>> -> memref<1x!tpu.dma_semaphore, #tpu.memory_space<semaphore_mem>>
      %dma_wait3A_462 = tpu.memref_squeeze %dma_wait3A_461 : memref<1x!tpu.dma_semaphore, #tpu.memory_space<semaphore_mem>> -> memref<!tpu.dma_semaphore, #tpu.memory_space<semaphore_mem>>
      %dma_wait3A_463 = arith.constant 0 : i32
      %dma_wait3A_464 = arith.constant 0 : i32
      %dma_wait3A_465 = tpu.memref_slice %arg6[%dma_wait3A_452, %dma_wait3A_463, %dma_wait3A_464] : memref<2x512x64xf32, #tpu.memory_space<vmem>> -> memref<1x512x64xf32, #tpu.memory_space<vmem>>
      %dma_wait3A_466 = tpu.memref_squeeze %dma_wait3A_465 : memref<1x512x64xf32, #tpu.memory_space<vmem>> -> memref<512x64xf32, #tpu.memory_space<vmem>>
      %dma_wait3A_467 = arith.constant 0 : i32
      %dma_wait3A_468 = arith.constant 0 : i32
      %dma_wait3A_469 = tpu.memref_slice %arg2[%dma_wait3A_467, %dma_wait3A_468] : memref<1000000x64xf32, #tpu.memory_space<hbm>> -> memref<512x64xf32, #tpu.memory_space<hbm>>
      tpu.wait_dma2 semaphore(%dma_wait3A_462 : memref<!tpu.dma_semaphore, #tpu.memory_space<semaphore_mem>>) src(%dma_wait3A_469 : memref<512x64xf32, #tpu.memory_space<hbm>>) dst(%dma_wait3A_466 : memref<512x64xf32, #tpu.memory_space<vmem>>)
      %add3A_470 = arith.constant 1 : i32
      %add3A_471 = arith.addi %add3A_234, %add3A_470 : i32
      %mul3A_472 = arith.constant 512 : i32
      %mul3A_473 = arith.muli %add3A_471, %mul3A_472 : i32
      %add3A_474 = arith.addi %mul3A_2, %mul3A_473 : i32
      %dma_start3A_475 = arith.constant 0 : i32
      %dma_start3A_476 = arith.constant 0 : i32
      %dma_start3A_477 = arith.constant 0 : i32
      %dma_start3A_478 = arith.constant 0 : i32
      %dma_start3A_479 = tpu.memref_slice %arg6[%dma_start3A_475, %dma_start3A_477, %dma_start3A_478] : memref<2x512x64xf32, #tpu.memory_space<vmem>> -> memref<1x512x64xf32, #tpu.memory_space<vmem>>
      %dma_start3A_480 = tpu.memref_squeeze %dma_start3A_479 : memref<1x512x64xf32, #tpu.memory_space<vmem>> -> memref<512x64xf32, #tpu.memory_space<vmem>>
      %dma_start3A_481 = arith.constant 0 : i32
      %dma_start3A_482 = tpu.memref_slice %arg4[%add3A_474, %dma_start3A_481] : memref<819200x64xf32, #tpu.memory_space<hbm>> -> memref<512x64xf32, #tpu.memory_space<hbm>>
      %dma_start3A_483 = tpu.memref_slice %arg8[%dma_start3A_476] : memref<2x!tpu.dma_semaphore, #tpu.memory_space<semaphore_mem>> -> memref<1x!tpu.dma_semaphore, #tpu.memory_space<semaphore_mem>>
      %dma_start3A_484 = tpu.memref_squeeze %dma_start3A_483 : memref<1x!tpu.dma_semaphore, #tpu.memory_space<semaphore_mem>> -> memref<!tpu.dma_semaphore, #tpu.memory_space<semaphore_mem>>
      %dma_start3A_485 = arith.constant 0 : i32
      %dma_start3A_486 = tpu.memref_slice %arg4[%add3A_474, %dma_start3A_485] : memref<819200x64xf32, #tpu.memory_space<hbm>> -> memref<512x64xf32, #tpu.memory_space<hbm>>
      %dma_start3A_487 = arith.constant 0 : i32
      %dma_start3A_488 = arith.constant 0 : i32
      %dma_start3A_489 = tpu.memref_slice %arg6[%dma_start3A_475, %dma_start3A_487, %dma_start3A_488] : memref<2x512x64xf32, #tpu.memory_space<vmem>> -> memref<1x512x64xf32, #tpu.memory_space<vmem>>
      %dma_start3A_490 = tpu.memref_squeeze %dma_start3A_489 : memref<1x512x64xf32, #tpu.memory_space<vmem>> -> memref<512x64xf32, #tpu.memory_space<vmem>>
      tpu.enqueue_dma source(%dma_start3A_490 : memref<512x64xf32, #tpu.memory_space<vmem>>) target(%dma_start3A_486 : memref<512x64xf32, #tpu.memory_space<hbm>>) target_semaphore(%dma_start3A_484 : memref<!tpu.dma_semaphore, #tpu.memory_space<semaphore_mem>>)
    }
    %scan3A_161 = arith.constant 24 : i32
    %dma_wait3A_162 = arith.constant 1 : i32
    %dma_wait3A_163 = arith.constant 1 : i32
    %dma_wait3A_164 = arith.constant 0 : i32
    %dma_wait3A_165 = arith.constant 0 : i32
    %dma_wait3A_166 = tpu.memref_slice %arg6[%dma_wait3A_162, %dma_wait3A_164, %dma_wait3A_165] : memref<2x512x64xf32, #tpu.memory_space<vmem>> -> memref<1x512x64xf32, #tpu.memory_space<vmem>>
    %dma_wait3A_167 = tpu.memref_squeeze %dma_wait3A_166 : memref<1x512x64xf32, #tpu.memory_space<vmem>> -> memref<512x64xf32, #tpu.memory_space<vmem>>
    %dma_wait3A_168 = arith.constant 0 : i32
    %dma_wait3A_169 = arith.constant 0 : i32
    %dma_wait3A_170 = tpu.memref_slice %arg2[%dma_wait3A_168, %dma_wait3A_169] : memref<1000000x64xf32, #tpu.memory_space<hbm>> -> memref<512x64xf32, #tpu.memory_space<hbm>>
    %dma_wait3A_171 = tpu.memref_slice %arg7[%dma_wait3A_163] : memref<2x!tpu.dma_semaphore, #tpu.memory_space<semaphore_mem>> -> memref<1x!tpu.dma_semaphore, #tpu.memory_space<semaphore_mem>>
    %dma_wait3A_172 = tpu.memref_squeeze %dma_wait3A_171 : memref<1x!tpu.dma_semaphore, #tpu.memory_space<semaphore_mem>> -> memref<!tpu.dma_semaphore, #tpu.memory_space<semaphore_mem>>
    %dma_wait3A_173 = arith.constant 0 : i32
    %dma_wait3A_174 = arith.constant 0 : i32
    %dma_wait3A_175 = tpu.memref_slice %arg6[%dma_wait3A_162, %dma_wait3A_173, %dma_wait3A_174] : memref<2x512x64xf32, #tpu.memory_space<vmem>> -> memref<1x512x64xf32, #tpu.memory_space<vmem>>
    %dma_wait3A_176 = tpu.memref_squeeze %dma_wait3A_175 : memref<1x512x64xf32, #tpu.memory_space<vmem>> -> memref<512x64xf32, #tpu.memory_space<vmem>>
    %dma_wait3A_177 = arith.constant 0 : i32
    %dma_wait3A_178 = arith.constant 0 : i32
    %dma_wait3A_179 = tpu.memref_slice %arg2[%dma_wait3A_177, %dma_wait3A_178] : memref<1000000x64xf32, #tpu.memory_space<hbm>> -> memref<512x64xf32, #tpu.memory_space<hbm>>
    tpu.wait_dma2 semaphore(%dma_wait3A_172 : memref<!tpu.dma_semaphore, #tpu.memory_space<semaphore_mem>>) src(%dma_wait3A_179 : memref<512x64xf32, #tpu.memory_space<hbm>>) dst(%dma_wait3A_176 : memref<512x64xf32, #tpu.memory_space<vmem>>)
    %add3A_180 = arith.constant 25088 : i32
    %add3A_181 = arith.addi %mul3A_2, %add3A_180 : i32
    %dma_start3A_182 = arith.constant 1 : i32
    %dma_start3A_183 = arith.constant 1 : i32
    %dma_start3A_184 = arith.constant 0 : i32
    %dma_start3A_185 = arith.constant 0 : i32
    %dma_start3A_186 = tpu.memref_slice %arg6[%dma_start3A_182, %dma_start3A_184, %dma_start3A_185] : memref<2x512x64xf32, #tpu.memory_space<vmem>> -> memref<1x512x64xf32, #tpu.memory_space<vmem>>
    %dma_start3A_187 = tpu.memref_squeeze %dma_start3A_186 : memref<1x512x64xf32, #tpu.memory_space<vmem>> -> memref<512x64xf32, #tpu.memory_space<vmem>>
    %dma_start3A_188 = arith.constant 0 : i32
    %dma_start3A_189 = tpu.memref_slice %arg4[%add3A_181, %dma_start3A_188] : memref<819200x64xf32, #tpu.memory_space<hbm>> -> memref<512x64xf32, #tpu.memory_space<hbm>>
    %dma_start3A_190 = tpu.memref_slice %arg8[%dma_start3A_183] : memref<2x!tpu.dma_semaphore, #tpu.memory_space<semaphore_mem>> -> memref<1x!tpu.dma_semaphore, #tpu.memory_space<semaphore_mem>>
    %dma_start3A_191 = tpu.memref_squeeze %dma_start3A_190 : memref<1x!tpu.dma_semaphore, #tpu.memory_space<semaphore_mem>> -> memref<!tpu.dma_semaphore, #tpu.memory_space<semaphore_mem>>
    %dma_start3A_192 = arith.constant 0 : i32
    %dma_start3A_193 = tpu.memref_slice %arg4[%add3A_181, %dma_start3A_192] : memref<819200x64xf32, #tpu.memory_space<hbm>> -> memref<512x64xf32, #tpu.memory_space<hbm>>
    %dma_start3A_194 = arith.constant 0 : i32
    %dma_start3A_195 = arith.constant 0 : i32
    %dma_start3A_196 = tpu.memref_slice %arg6[%dma_start3A_182, %dma_start3A_194, %dma_start3A_195] : memref<2x512x64xf32, #tpu.memory_space<vmem>> -> memref<1x512x64xf32, #tpu.memory_space<vmem>>
    %dma_start3A_197 = tpu.memref_squeeze %dma_start3A_196 : memref<1x512x64xf32, #tpu.memory_space<vmem>> -> memref<512x64xf32, #tpu.memory_space<vmem>>
    tpu.enqueue_dma source(%dma_start3A_197 : memref<512x64xf32, #tpu.memory_space<vmem>>) target(%dma_start3A_193 : memref<512x64xf32, #tpu.memory_space<hbm>>) target_semaphore(%dma_start3A_191 : memref<!tpu.dma_semaphore, #tpu.memory_space<semaphore_mem>>)
    %dma_wait3A_198 = arith.constant 0 : i32
    %dma_wait3A_199 = arith.constant 0 : i32
    %dma_wait3A_200 = arith.constant 0 : i32
    %dma_wait3A_201 = arith.constant 0 : i32
    %dma_wait3A_202 = tpu.memref_slice %arg6[%dma_wait3A_198, %dma_wait3A_200, %dma_wait3A_201] : memref<2x512x64xf32, #tpu.memory_space<vmem>> -> memref<1x512x64xf32, #tpu.memory_space<vmem>>
    %dma_wait3A_203 = tpu.memref_squeeze %dma_wait3A_202 : memref<1x512x64xf32, #tpu.memory_space<vmem>> -> memref<512x64xf32, #tpu.memory_space<vmem>>
    %dma_wait3A_204 = arith.constant 0 : i32
    %dma_wait3A_205 = tpu.memref_slice %arg4[%mul3A_2, %dma_wait3A_204] : memref<819200x64xf32, #tpu.memory_space<hbm>> -> memref<512x64xf32, #tpu.memory_space<hbm>>
    %dma_wait3A_206 = tpu.memref_slice %arg8[%dma_wait3A_199] : memref<2x!tpu.dma_semaphore, #tpu.memory_space<semaphore_mem>> -> memref<1x!tpu.dma_semaphore, #tpu.memory_space<semaphore_mem>>
    %dma_wait3A_207 = tpu.memref_squeeze %dma_wait3A_206 : memref<1x!tpu.dma_semaphore, #tpu.memory_space<semaphore_mem>> -> memref<!tpu.dma_semaphore, #tpu.memory_space<semaphore_mem>>
    %dma_wait3A_208 = arith.constant 0 : i32
    %dma_wait3A_209 = tpu.memref_slice %arg4[%mul3A_2, %dma_wait3A_208] : memref<819200x64xf32, #tpu.memory_space<hbm>> -> memref<512x64xf32, #tpu.memory_space<hbm>>
    %dma_wait3A_210 = arith.constant 0 : i32
    %dma_wait3A_211 = arith.constant 0 : i32
    %dma_wait3A_212 = tpu.memref_slice %arg6[%dma_wait3A_198, %dma_wait3A_210, %dma_wait3A_211] : memref<2x512x64xf32, #tpu.memory_space<vmem>> -> memref<1x512x64xf32, #tpu.memory_space<vmem>>
    %dma_wait3A_213 = tpu.memref_squeeze %dma_wait3A_212 : memref<1x512x64xf32, #tpu.memory_space<vmem>> -> memref<512x64xf32, #tpu.memory_space<vmem>>
    tpu.wait_dma2 semaphore(%dma_wait3A_207 : memref<!tpu.dma_semaphore, #tpu.memory_space<semaphore_mem>>) src(%dma_wait3A_213 : memref<512x64xf32, #tpu.memory_space<vmem>>) dst(%dma_wait3A_209 : memref<512x64xf32, #tpu.memory_space<hbm>>)
    %dma_wait3A_214 = arith.constant 1 : i32
    %dma_wait3A_215 = arith.constant 1 : i32
    %dma_wait3A_216 = arith.constant 0 : i32
    %dma_wait3A_217 = arith.constant 0 : i32
    %dma_wait3A_218 = tpu.memref_slice %arg6[%dma_wait3A_214, %dma_wait3A_216, %dma_wait3A_217] : memref<2x512x64xf32, #tpu.memory_space<vmem>> -> memref<1x512x64xf32, #tpu.memory_space<vmem>>
    %dma_wait3A_219 = tpu.memref_squeeze %dma_wait3A_218 : memref<1x512x64xf32, #tpu.memory_space<vmem>> -> memref<512x64xf32, #tpu.memory_space<vmem>>
    %dma_wait3A_220 = arith.constant 0 : i32
    %dma_wait3A_221 = tpu.memref_slice %arg4[%mul3A_2, %dma_wait3A_220] : memref<819200x64xf32, #tpu.memory_space<hbm>> -> memref<512x64xf32, #tpu.memory_space<hbm>>
    %dma_wait3A_222 = tpu.memref_slice %arg8[%dma_wait3A_215] : memref<2x!tpu.dma_semaphore, #tpu.memory_space<semaphore_mem>> -> memref<1x!tpu.dma_semaphore, #tpu.memory_space<semaphore_mem>>
    %dma_wait3A_223 = tpu.memref_squeeze %dma_wait3A_222 : memref<1x!tpu.dma_semaphore, #tpu.memory_space<semaphore_mem>> -> memref<!tpu.dma_semaphore, #tpu.memory_space<semaphore_mem>>
    %dma_wait3A_224 = arith.constant 0 : i32
    %dma_wait3A_225 = tpu.memref_slice %arg4[%mul3A_2, %dma_wait3A_224] : memref<819200x64xf32, #tpu.memory_space<hbm>> -> memref<512x64xf32, #tpu.memory_space<hbm>>
    %dma_wait3A_226 = arith.constant 0 : i32
    %dma_wait3A_227 = arith.constant 0 : i32
    %dma_wait3A_228 = tpu.memref_slice %arg6[%dma_wait3A_214, %dma_wait3A_226, %dma_wait3A_227] : memref<2x512x64xf32, #tpu.memory_space<vmem>> -> memref<1x512x64xf32, #tpu.memory_space<vmem>>
    %dma_wait3A_229 = tpu.memref_squeeze %dma_wait3A_228 : memref<1x512x64xf32, #tpu.memory_space<vmem>> -> memref<512x64xf32, #tpu.memory_space<vmem>>
    tpu.wait_dma2 semaphore(%dma_wait3A_223 : memref<!tpu.dma_semaphore, #tpu.memory_space<semaphore_mem>>) src(%dma_wait3A_229 : memref<512x64xf32, #tpu.memory_space<vmem>>) dst(%dma_wait3A_225 : memref<512x64xf32, #tpu.memory_space<hbm>>)
    return
  }
}

</mosaic_0001>

<sc_bundles>
// kernel: kernel.3.cloned.1.call-start
scs
__scs_entry_jumppad:
0x0: {  	(pc) =	sbr.rel $0x88, $3  }
0x1: {  	(tag) =	ssettag $0x0;
	lr =	simm.s32 $0x1  }
0x2: {  	[smem:$0x3F9F] =	sst lr;
	_ =	strace $0xD0000000  }
0x3: {  	_ = 	snop  }
0x4: {  	_ = 	snop  }
0x5: {  	_ = 	snop  }
0x6: {  	_ = 	snop  }
0x7: {  	_ = 	snop  }
__scs_overlays_trampoline_lowered:
0x8: {  	[smem:$0x3FAE] =	sst s0  }
0x9: {  	[smem:$0x3FAF] =	sst s1  }
0xa: {  	[smem:$0x3FB0] =	sst s2  }
0xb: {  	[smem:$0x3FB1] =	sst s3  }
0xc: {  	[smem:$0x3FB2] =	sst s4  }
0xd: {  	[smem:$0x3FB3] =	sst s5  }
0xe: {  	[smem:$0x3FB4] =	sst s6  }
0xf: {  	[smem:$0x3FB5] =	sst s7  }
0x10: {  	[smem:$0x3FB6] =	sst s8  }
0x11: {  	[smem:$0x3FB7] =	sst s9;
	s0 =	simm.s32 @!p0 $0x0  }
0x12: {  	s1 =	sld [smem:$0x3F9D];
	s0 =	simm.s32 @p0 $0x1  }
0x13: {  	[smem:$0x3FB8] =	sst s0;
	s0 =	simm.s32 @!p1 $0x0  }
0x14: {  	s2 =	sld [smem:$0x3F9C];
	s0 =	simm.s32 @p1 $0x1  }
0x15: {  	[smem:$0x3FB9] =	sst s0;
	s0 =	simm.s32 @!p2 $0x0  }
0x16: {  	s3 =	sld [smem:$0x3FDB];
	s0 =	simm.s32 @p2 $0x1  }
0x17: {  	s4 =	simm.s32 $0x1BF5;
	[smem:$0x3FBB] =	sst s0  }
0x18: {  	s0 =	sld [smem:$0x3F9E];
	_ =	swait.ge [sflag:s4], $0x0  }
0x19: {  	s7 =	sld [smem:$0x3F9F]  }
0x1a: {  	s8 =	sadd.s32 $0xFFFFE003, lr  }
0x1b: {  	s9 =	sadd.s32 $0xFFFFFEF7, lr;
	s5 =	simm.s32 $0xFFFFFFFF;
	p2 =	slt.u32 s8, $0xFFFFF086  }
0x1c: {  	p1 =	slt.u32 s9, $0xF7A;
	s5 =	simm.s32 @!p2 $0x0  }
0x1d: {  	s5 =	simm.s32 @p1 $0x1;
	p0 =	seq.s32 s7, s2  }
0x1e: {  	s7 =	smul.u32 @!p0 $0xF7A, s2;
	p2 =	seq.s32 @!p0 s5, $0x0  }
0x1f: {  	s9 =	smul.u32 $0xF7A, s1;
	s8 =	simm.s32 @!p0 $0x1BF5;
	p2 =	por !p2, p0  }
0x20: {  	[sflag:s8] =	ssyncset.s32 @!p0 $0xFFFFF086;
	s6 =	sadd.s32 @!p0 s3, s7;
	s7 =	simm.s32 @!p0 $0x108  }
0x21: {  	s3 =	sadd.s32 s3, s9;
	s6 =	sadd.s32 @!p0 $0x88, s6;
	s7 =	simm.s32 @p2 $0x1082  }
0x22: {  	[simem:s7], [sflag:s8] =	dma.local @!p0 [hbm:s6], $0xF7A  }
0x23: {  	s9 =	sor.u32 $0xD0000000, s2;
	s6 =	simm.s32 $0x108;
	_ =	swait.ge @!p0 [sflag:s8], $0x0  }
0x24: {  	s3 =	sadd.s32 $0x88, s3;
	s6 =	simm.s32 @!p1 $0x1082;
	[sflag:s4] =	ssyncset.s32 $0xFFFFF086  }
0x25: {  	[simem:s6], [sflag:s4] =	dma.local [hbm:s3], $0xF7A  }
0x26: {  	[smem:$0x3F9F] =	sst s1;
	(tag) =	ssettag s2;
	_ =	strace s9  }
0x27: {  	s1 =	sld [smem:$0x3FAF]  }
0x28: {  	s2 =	sld [smem:$0x3FB0]  }
0x29: {  	s4 =	sld [smem:$0x3FB2]  }
0x2a: {  	p0 =	seq.s32 s5, $0x0;
	s5 =	sld [smem:$0x3FB3]  }
0x2b: {  	s6 =	sld [smem:$0x3FB4]  }
0x2c: {  	s7 =	sld [smem:$0x3FB5]  }
0x2d: {  	s3 =	simm.s32 $0x108;
	s8 =	sld [smem:$0x3FB6]  }
0x2e: {  	s3 =	simm.s32 @!p0 $0x1082;
	s9 =	sld [smem:$0x3FB7]  }
0x2f: {  	lr =	sadd.s32 s0, s3;
	s0 =	sld [smem:$0x3FAE]  }
0x30: {  	s3 =	sld [smem:$0x3FB1]  }
0x31: {  	[smem:$0x3FBA] =	sst s10  }
0x32: {  	s10 =	sld [smem:$0x3FB8];
	_ =	sdelay $0x3  }
0x33: {  	p0 =	seq.s32 s10, $0x1;
	s10 =	sld [smem:$0x3FBA];
	_ =	sdelay $0x3  }
0x34: {  	[smem:$0x3FBA] =	sst s10  }
0x35: {  	s10 =	sld [smem:$0x3FB9];
	_ =	sdelay $0x3  }
0x36: {  	p1 =	seq.s32 s10, $0x1;
	s10 =	sld [smem:$0x3FBA];
	_ =	sdelay $0x3  }
0x37: {  	[smem:$0x3FBA] =	sst s10  }
0x38: {  	s10 =	sld [smem:$0x3FBB]  }
0x39: {  	_ = 	snop;
	(pc) =	sbr.ind lr, $3  }
0x3a: {  	_ = 	snop  }
0x3b: {  	_ = 	snop  }
0x3c: {  	p2 =	seq.s32 s10, $0x1;
	s10 =	sld [smem:$0x3FBA]  }
0x3d: {  	_ =	shalt  }
0x3e: {  	_ =	shalt  }
0x3f: {  	_ =	shalt  }
0x40: {  	_ =	shalt  }
0x41: {  	_ =	shalt  }
0x42: {  	_ =	shalt  }
0x43: {  	_ =	shalt  }
0x44: {  	_ =	shalt  }
0x45: {  	_ =	shalt  }
0x46: {  	_ =	shalt  }
0x47: {  	_ =	shalt  }
0x48: {  	_ =	shalt  }
0x49: {  	_ =	shalt  }
0x4a: {  	_ =	shalt  }
0x4b: {  	_ =	shalt  }
0x4c: {  	_ =	shalt  }
0x4d: {  	_ =	shalt  }
0x4e: {  	_ =	shalt  }
0x4f: {  	_ =	shalt  }
0x50: {  	_ =	shalt  }
0x51: {  	_ =	shalt  }
0x52: {  	_ =	shalt  }
0x53: {  	_ =	shalt  }
0x54: {  	_ =	shalt  }
0x55: {  	_ =	shalt  }
0x56: {  	_ =	shalt  }
0x57: {  	_ =	shalt  }
0x58: {  	_ =	shalt  }
0x59: {  	_ =	shalt  }
0x5a: {  	_ =	shalt  }
0x5b: {  	_ =	shalt  }
0x5c: {  	_ =	shalt  }
0x5d: {  	_ =	shalt  }
0x5e: {  	_ =	shalt  }
0x5f: {  	_ =	shalt  }
0x60: {  	_ =	shalt  }
0x61: {  	_ =	shalt  }
0x62: {  	_ =	shalt  }
0x63: {  	_ =	shalt  }
0x64: {  	_ =	shalt  }
0x65: {  	_ =	shalt  }
0x66: {  	_ =	shalt  }
0x67: {  	_ =	shalt  }
0x68: {  	_ =	shalt  }
0x69: {  	_ =	shalt  }
0x6a: {  	_ =	shalt  }
0x6b: {  	_ =	shalt  }
0x6c: {  	_ =	shalt  }
0x6d: {  	_ =	shalt  }
0x6e: {  	_ =	shalt  }
0x6f: {  	_ =	shalt  }
0x70: {  	_ =	shalt  }
0x71: {  	_ =	shalt  }
0x72: {  	_ =	shalt  }
0x73: {  	_ =	shalt  }
0x74: {  	_ =	shalt  }
0x75: {  	_ =	shalt  }
0x76: {  	_ =	shalt  }
0x77: {  	_ =	shalt  }
0x78: {  	_ =	shalt  }
0x79: {  	_ =	shalt  }
0x7a: {  	_ =	shalt  }
0x7b: {  	_ =	shalt  }
0x7c: {  	_ =	shalt  }
0x7d: {  	_ =	shalt  }
0x7e: {  	_ =	shalt  }
0x7f: {  	_ =	shalt  }
0x80: {  	_ =	shalt  }
0x81: {  	_ =	shalt  }
0x82: {  	_ =	shalt  }
0x83: {  	_ =	shalt  }
0x84: {  	_ =	shalt  }
0x85: {  	_ =	shalt  }
0x86: {  	_ =	shalt  }
0x87: {  	_ =	shalt  }
.Lfunc_end0:
.L_simem_size_0:
called_computation.1_lowered:
.L_overlay_start_0:
0x88: {  	s2 =	sld [smem:$0x3FD9]  }
0x89: {  	s3 =	sld [smem:$0x3FFE];
	_ =	sdelay $0x1  }
0x8a: {  	s1 =	srdreg.scid  }
0x8b: {  	s0 =	sand.u32 $0x1, s1  }
0x8c: {  	s17 =	sshll.u32 s0, $0xA;
	s2 =	sadd.s32 s3, s2  }
0x8d: {  	s2 =	sadd.s32 s2, s17  }
0x8e: {  	[smem:$0x3FC6] =	sst s2  }
0x8f: {  	_ = 	snop  }
0x90: {  	s2 =	sld [smem:$0x3FD0];
	(tm) =	ssettm $0x1  }
0x91: {  	s18 =	sld [smem:$0x3FFB];
	_ =	sdelay $0x3  }
0x92: {  	_ =	strace s18  }
0x93: {  	s3 =	sld [smem:$0x3FFC];
	_ =	sdelay $0x3  }
0x94: {  	_ =	strace s3  }
0x95: {  	s3 =	sld [smem:$0x3FFD];
	_ =	sdelay $0x3  }
0x96: {  	_ =	strace s3  }
0x97: {  	_ =	strace $0x8FFFFFFF  }
0x98: {  	s19 =	sld [smem:$0x3FDB];
	_ =	sdelay $0x1  }
0x99: {  	s4 =	simm.s32 $_scs_section_size  }
0x9a: {  	s5 =	simm.s32 $_size__tile_overlayer_lowered;
	s6 =	simm.s32 $_tile_overlayer_lowered  }
0x9b: {  	s22 =	simm.s32 $0x1BFF;
	s21 =	sshll.u32 s6, $0x1;
	s3 =	sadd.s32 s4, s19  }
0x9c: {  	s7 =	simm.s32 $0x0;
	s20 =	sshll.u32 s5, $0x1;
	s5 =	sadd.s32 s21, s3  }
0x9d: {  	[timem:s7], [sflag:s22] =	dma.local [hbm:s5], s20  }
0x9e: {  	_ =	swait.ge [sflag:s22], s20  }
0x9f: {  	s4 =	ssub.s32 $0x0, s20;
	[sflag:s22] =	ssyncset.done $0x0  }
0xa0: {  	[sflag:s22] =	ssyncadd.s32 s4;
	_ =	sdelay $0x1  }
0xa1: {  	s23 =	simm.s32 $0x1B8B  }
0xa2: {  	_ =	swait.ge [sflag:s23], $0x1  }
0xa3: {  	[sflag:s23] =	ssyncset.done $0x0  }
0xa4: {  	s25 =	simm.s32 $0x1B8E;
	s24 =	sld [smem:$0x3FFE];
	[sflag:s23] =	ssyncadd.s32 $0xFFFFFFFF  }
0xa5: {  	s26 =	simm.s32 $execute0_lowered;
	[smem:$0x3FD2] =	sst s25  }
0xa6: {  	s5 =	sshll.u32 s26, $0x1;
	_ =	strace $0x80000046;
	[dreg:$0x1] =	wrdreg $0xFFFFFFFF  }
0xa7: {  	s28 =	simm.s32 $_size_execute0_lowered;
	s3 =	sadd.s32 s3, s5;
	[dreg:$0x0] =	wrdreg $0x0  }
0xa8: {  	s5 =	sshll.u32 s28, $0x1;
	[dreg:$0x2] =	wrdreg s3  }
0xa9: {  	[dreg:$0x3] =	wrdreg s5  }
0xaa: {  	[dreg:$0x4] =	wrdreg $0xC0  }
0xab: {  	_ =	task [dreg:s7], $0x5FFFF  }
0xac: {  	[dreg:$0x1] =	wrdreg $0xFFFFFFFF  }
0xad: {  	[dreg:$0x0] =	wrdreg $0x60  }
0xae: {  	[dreg:$0x2] =	wrdreg s24  }
0xaf: {  	[dreg:$0x3] =	wrdreg s2  }
0xb0: {  	[dreg:$0x4] =	wrdreg $0x9  }
0xb1: {  	_ =	task.clear_ibuf [dreg:s7], $0x5FFFF;
	_ =	strace $0x90000046  }
0xb2: {  	s29 =	simm.s32 $0x9;
	_ =	strace $0x80000048  }
0xb3: {  	_ =	swait.ge [sflag:s29], $0x1  }
0xb4: {  	[sflag:s29] =	ssyncadd.s32 $0xFFFFFFFF  }
0xb5: {  	_ =	strace $0x90000048  }
0xb6: {  	_ =	sfence  }
0xb7: {  	s30 =	sld [smem:$0x0];
	_ =	sdelay $0x2  }
0xb8: {  	s31 =	sshll.u32 s1, $0xD;
	s1 =	sshrl.u32 s1, $0x2  }
0xb9: {  	s3 =	sand.u32 $0x4000, s31;
	s1 =	sadd.s32 s1, s30  }
0xba: {  	s0 =	sor.u32 s3, s0;
	s1 =	sshll.u32 s1, $0x11  }
0xbb: {  	s0 =	sor.u32 s1, s0  }
0xbc: {  	s0 =	sadd.s32 $0x8F2B, s0  }
0xbd: {  	[sflag:s0] =	ssyncadd.remote.s32 $0x1  }
0xbe: {  	_ =	sfence.sel $0xFFFF  }
0xbf: {  	[dreg:$0x0] =	wrdreg $0xFFFFFFFF;
	(pc) =	sbr.abs _section_cstart, $3  }
0xc0: {  	[dreg:$0x1] =	wrdreg $0xFFFFFFFF  }
0xc1: {  	_ =	task.clear_ibuf [dreg:s7], $0x2FFFF;
	_ =	strace $0x9FFFFFFF  }
0xc2: {  	(tm) =	ssettm $0x7FFFFFFF  }
0xc3: {  	_ =	shalt  }
tec
execute0_lowered:
.L_overlay_start_1:
0x0: {  	(tag) =	ssettag $0x1  }
0x1: {  	s0 =	srdreg.scid;
	s5 =	rddreg [dreg:$0x0]  }
0x2: {  	s12 =	stileid.u32;
	s2 =	rddreg [dreg:$0x1];
	s3 =	simm.s32 $0x0  }
0x3: {  	s13 =	simm.s32 $0x6400;
	s14 =	simm.s32 $0x8400;
	s16 =	simm.s32 $0xA400  }
0x4: {  	s18 =	simm.s32 $0xC400;
	s20 =	simm.s32 $0xE400;
	s22 =	simm.s32 $0x10400  }
0x5: {  	s23 =	simm.s32 $0x300;
	s24 =	simm.s32 $0x12400;
	s28 =	simm.s32 $0x1  }
0x6: {  	s29 =	simm.s32 $0x3;
	s30 =	simm.s32 $0x2;
	s9 =	smul.u32 $0x64000, s12  }
0x7: {  	s31 =	simm.s32 $0x4;
	s0 =	sand.u32 $0x1, s0;
	s25 =	smul.u32 $0x320000, s12  }
0x8: {  	s1 =	sshll.u32 s12, $0x1;
	[smem:$0x7FF] =	sst s3;
	s11 =	smul.u32 $0x32000, s0  }
0x9: {  	s1 =	sor.u32 s0, s1;
	s8 =	ssub.s32 $0x2, s0;
	s0 =	smul.u32 $0x190000, s0  }
0xa: {  	s4 =	sadd.s32 $0xF42E00, s5;
	s12 =	simm.s32 $0x80;
	s6 =	smul.u32 $0xC80, s1  }
0xb: {  	_ =	strace $0x80000047;
	s7 =	smul.u32 $0x32000, s1;
	s10 =	sshrl.u32 s8, $0x1  }
0xc: {  	s1 =	smul.u32 $0x190000, s1;
	s9 =	sadd.s32 s9, s2;
	s8 =	ssub.s32 s8, s10  }
0xd: {  	s26 =	sadd.s32 s11, s9;
	s0 =	sadd.s32 s0, s25;
	s11 =	simm.s32 $0x5  }
0xe: {  	s25 =	simm.s32 $0x380;
	s5 =	sadd.s32 s6, s5;
	s1 =	sshrl.u32 s1, $0x3  }
0xf: {  	s6 =	sadd.s32 s2, s7;
	s8 =	smax.u32 s8, $0x1;
	s9 =	sadd.s32 $0x1000, s26  }
0x10: {  	s10 =	sadd.s32 $0x10000, s0;
	s26 =	simm.s32 $0x14400;
	s1 =	sadd.s32 s2, s1  }
0x11: {  	s5 =	sadd.s32 $0xA00, s5;
	s7 =	sadd.s32 $0x31000, s1;
	s1 =	simm.s32 $0x0  }
.LBB2_1:
0x12: {  	[tilespmem:s3], [sflag:$0x5] =	stream.linear.gather [hbm4b:s5+s3], $0x6400, $0x38;
	[tilespmem:$0x16400] =	vst v63  }
0x13: {  	_ =	swait.ge [sflag:s11], $0x6400  }
0x14: {  	[sflag:s11] =	ssyncset.done $0x0  }
0x15: {  	[sflag:s11] =	ssyncadd.s32 $0xFFFF9C00  }
0x16: {  	[tilespmem:s13], [sflag:$0x1] =	stream.indirect.gather [hbm4b:s4+s12], $0x40, s3, s12, $0xb8;
	[tilespmem:$0x16400] =	vst v63  }
0x17: {  	_ = 	snop  }
0x18: {  	[tilespmem:s14], [sflag:$0x1] =	stream.indirect.gather [hbm4b:s4+s12], $0x40, s12, s12, $0xb8;
	[tilespmem:$0x16400] =	vst v63  }
0x19: {  	s0 =	simm.s32 $0x100  }
0x1a: {  	[tilespmem:s16], [sflag:$0x1] =	stream.indirect.gather [hbm4b:s4+s12], $0x40, s0, s12, $0xb8;
	[tilespmem:$0x16400] =	vst v63  }
0x1b: {  	s17 =	simm.s32 $0x180  }
0x1c: {  	[tilespmem:s18], [sflag:$0x1] =	stream.indirect.gather [hbm4b:s4+s12], $0x40, s17, s12, $0xb8;
	[tilespmem:$0x16400] =	vst v63  }
0x1d: {  	s19 =	simm.s32 $0x200  }
0x1e: {  	[tilespmem:s20], [sflag:$0x2] =	stream.indirect.gather [hbm4b:s4+s12], $0x40, s19, s12, $0xb8;
	[tilespmem:$0x16400] =	vst v63  }
0x1f: {  	s21 =	simm.s32 $0x280  }
0x20: {  	[tilespmem:s22], [sflag:$0x2] =	stream.indirect.gather [hbm4b:s4+s12], $0x40, s21, s12, $0xb8;
	[tilespmem:$0x16400] =	vst v63  }
0x21: {  	_ = 	snop  }
0x22: {  	[tilespmem:s24], [sflag:$0x2] =	stream.indirect.gather [hbm4b:s4+s12], $0x40, s23, s12, $0xb8;
	[tilespmem:$0x16400] =	vst v63  }
0x23: {  	_ = 	snop  }
0x24: {  	[tilespmem:s26], [sflag:$0x2] =	stream.indirect.gather [hbm4b:s4+s12], $0x40, s25, s12, $0xb8;
	[tilespmem:$0x16400] =	vst v63  }
0x25: {  	_ =	swait.ge [sflag:s28], $0x8000  }
0x26: {  	[sflag:s28] =	ssyncset.done $0x0  }
0x27: {  	[sflag:s28] =	ssyncadd.s32 $0xFFFF8000  }
0x28: {  	[hbm4b:s6+s3] =	stream.linear.scatter [tilespmem:s13], [sflag:$0x3], $0x8000, $0x38;
	[tilespmem:$0x16400] =	vst v63  }
0x29: {  	_ =	swait.ge [sflag:s29], $0x8000  }
0x2a: {  	[sflag:s29] =	ssyncset.done $0x0  }
0x2b: {  	s15 =	simm.s32 $0x400;
	[sflag:s29] =	ssyncadd.s32 $0xFFFF8000  }
0x2c: {  	[tilespmem:s13], [sflag:$0x1] =	stream.indirect.gather [hbm4b:s4+s12], $0x40, s15, s12, $0xb8;
	[tilespmem:$0x16400] =	vst v63  }
0x2d: {  	s17 =	simm.s32 $0x480  }
0x2e: {  	[tilespmem:s14], [sflag:$0x1] =	stream.indirect.gather [hbm4b:s4+s12], $0x40, s17, s12, $0xb8;
	[tilespmem:$0x16400] =	vst v63  }
0x2f: {  	s19 =	simm.s32 $0x500  }
0x30: {  	[tilespmem:s16], [sflag:$0x1] =	stream.indirect.gather [hbm4b:s4+s12], $0x40, s19, s12, $0xb8;
	[tilespmem:$0x16400] =	vst v63  }
0x31: {  	s21 =	simm.s32 $0x580  }
0x32: {  	[tilespmem:s18], [sflag:$0x1] =	stream.indirect.gather [hbm4b:s4+s12], $0x40, s21, s12, $0xb8;
	[tilespmem:$0x16400] =	vst v63  }
0x33: {  	_ =	swait.ge [sflag:s30], $0x8000  }
0x34: {  	[sflag:s30] =	ssyncset.done $0x0  }
0x35: {  	[sflag:s30] =	ssyncadd.s32 $0xFFFF8000  }
0x36: {  	[hbm4b:s9+s3] =	stream.linear.scatter [tilespmem:s20], [sflag:$0x4], $0x8000, $0x38;
	[tilespmem:$0x16400] =	vst v63  }
0x37: {  	_ =	swait.ge [sflag:s31], $0x8000  }
0x38: {  	[sflag:s31] =	ssyncset.done $0x0  }
0x39: {  	s15 =	simm.s32 $0x600;
	[sflag:s31] =	ssyncadd.s32 $0xFFFF8000  }
0x3a: {  	[tilespmem:s20], [sflag:$0x2] =	stream.indirect.gather [hbm4b:s4+s12], $0x40, s15, s12, $0xb8;
	[tilespmem:$0x16400] =	vst v63  }
0x3b: {  	s17 =	simm.s32 $0x680  }
0x3c: {  	[tilespmem:s22], [sflag:$0x2] =	stream.indirect.gather [hbm4b:s4+s12], $0x40, s17, s12, $0xb8;
	[tilespmem:$0x16400] =	vst v63  }
0x3d: {  	s19 =	simm.s32 $0x700  }
0x3e: {  	[tilespmem:s24], [sflag:$0x2] =	stream.indirect.gather [hbm4b:s4+s12], $0x40, s19, s12, $0xb8;
	[tilespmem:$0x16400] =	vst v63  }
0x3f: {  	s21 =	simm.s32 $0x780  }
0x40: {  	[tilespmem:s26], [sflag:$0x2] =	stream.indirect.gather [hbm4b:s4+s12], $0x40, s21, s12, $0xb8;
	[tilespmem:$0x16400] =	vst v63  }
0x41: {  	s0 =	simm.s32 $0x1000;
	_ =	swait.ge [sflag:s28], $0x8000  }
0x42: {  	s15 =	sadd.s32 $0x10000, s10;
	s17 =	sshrl.u32 s10, $0x3;
	[sflag:s28] =	ssyncset.done $0x0  }
0x43: {  	s19 =	sadd.s32 s2, s17;
	s17 =	sadd.s32 $0x2000, s9;
	[sflag:s28] =	ssyncadd.s32 $0xFFFF8000  }
.LBB2_2:
0x44: {  	[hbm4b:s19+s3] =	stream.linear.scatter [tilespmem:s13], [sflag:$0x3], $0x8000, $0x38;
	[tilespmem:$0x16400] =	vst v63  }
0x45: {  	s19 =	smov.u32 s0  }
0x46: {  	p0 =	sne.s32 s0, $0x17000;
	s0 =	sadd.s32 $0x1000, s0;
	_ =	swait.ge [sflag:s29], $0x8000  }
0x47: {  	s19 =	sshra.s32 s19, $0x2;
	[sflag:s29] =	ssyncset.done $0x0  }
0x48: {  	s21 =	sadd.s32 $0x400, s19;
	[sflag:s29] =	ssyncadd.s32 $0xFFFF8000  }
0x49: {  	[tilespmem:s13], [sflag:$0x1] =	stream.indirect.gather [hbm4b:s4+s12], $0x40, s21, s12, $0xb8;
	[tilespmem:$0x16400] =	vst v63  }
0x4a: {  	s21 =	sadd.s32 $0x480, s19  }
0x4b: {  	[tilespmem:s14], [sflag:$0x1] =	stream.indirect.gather [hbm4b:s4+s12], $0x40, s21, s12, $0xb8;
	[tilespmem:$0x16400] =	vst v63  }
0x4c: {  	s21 =	sadd.s32 $0x500, s19  }
0x4d: {  	[tilespmem:s16], [sflag:$0x1] =	stream.indirect.gather [hbm4b:s4+s12], $0x40, s21, s12, $0xb8;
	[tilespmem:$0x16400] =	vst v63  }
0x4e: {  	s21 =	sadd.s32 $0x580, s19  }
0x4f: {  	[tilespmem:s18], [sflag:$0x1] =	stream.indirect.gather [hbm4b:s4+s12], $0x40, s21, s12, $0xb8;
	[tilespmem:$0x16400] =	vst v63  }
0x50: {  	_ =	swait.ge [sflag:s30], $0x8000  }
0x51: {  	[sflag:s30] =	ssyncset.done $0x0  }
0x52: {  	[sflag:s30] =	ssyncadd.s32 $0xFFFF8000  }
0x53: {  	[hbm4b:s17+s3] =	stream.linear.scatter [tilespmem:s20], [sflag:$0x4], $0x8000, $0x38;
	[tilespmem:$0x16400] =	vst v63  }
0x54: {  	_ =	swait.ge [sflag:s31], $0x8000  }
0x55: {  	[sflag:s31] =	ssyncset.done $0x0  }
0x56: {  	s21 =	sadd.s32 $0x600, s19;
	[sflag:s31] =	ssyncadd.s32 $0xFFFF8000  }
0x57: {  	[tilespmem:s20], [sflag:$0x2] =	stream.indirect.gather [hbm4b:s4+s12], $0x40, s21, s12, $0xb8;
	[tilespmem:$0x16400] =	vst v63  }
0x58: {  	s21 =	sadd.s32 $0x680, s19  }
0x59: {  	[tilespmem:s22], [sflag:$0x2] =	stream.indirect.gather [hbm4b:s4+s12], $0x40, s21, s12, $0xb8;
	[tilespmem:$0x16400] =	vst v63  }
0x5a: {  	s21 =	sadd.s32 $0x700, s19  }
0x5b: {  	[tilespmem:s24], [sflag:$0x2] =	stream.indirect.gather [hbm4b:s4+s12], $0x40, s21, s12, $0xb8;
	[tilespmem:$0x16400] =	vst v63  }
.Ltmp0:
0x5c: {  	s19 =	sadd.s32 $0x780, s19;
	(pc) =	sbr.rel @p0 .LBB2_2-.Ltmp0, $4  }
0x5d: {  	[tilespmem:s26], [sflag:$0x2] =	stream.indirect.gather [hbm4b:s4+s12], $0x40, s19, s12, $0xb8;
	[tilespmem:$0x16400] =	vst v63  }
0x5e: {  	_ =	swait.ge [sflag:s28], $0x8000  }
0x5f: {  	s19 =	sshrl.u32 s15, $0x3;
	s15 =	sadd.s32 $0x10000, s15;
	[sflag:s28] =	ssyncset.done $0x0  }
0x60: {  	s17 =	sadd.s32 $0x2000, s17;
	s19 =	sadd.s32 s2, s19;
	[sflag:s28] =	ssyncadd.s32 $0xFFFF8000  }
0x61: {  	[hbm4b:s19+s3] =	stream.linear.scatter [tilespmem:s13], [sflag:$0x3], $0x8000, $0x38;
	[tilespmem:$0x16400] =	vst v63  }
0x62: {  	_ =	swait.ge [sflag:s30], $0x8000  }
0x63: {  	[sflag:s30] =	ssyncset.done $0x0  }
0x64: {  	s1 =	sadd.s32 $0x1, s1;
	[sflag:s30] =	ssyncadd.s32 $0xFFFF8000  }
0x65: {  	[hbm4b:s7+s3] =	stream.linear.scatter [tilespmem:s20], [sflag:$0x4], $0x8000, $0x38;
	[tilespmem:$0x16400] =	vst v63  }
0x66: {  	p0 =	sne.s32 s1, s8;
	_ =	swait.ge [sflag:s29], $0x8000  }
.Ltmp1:
0x67: {  	[sflag:s29] =	ssyncset.done $0x0;
	(pc) =	sbr.rel @p0 .LBB2_1-.Ltmp1, $4  }
0x68: {  	[sflag:s29] =	ssyncadd.s32 $0xFFFF8000  }
0x69: {  	_ =	swait.ge [sflag:s31], $0x8000  }
0x6a: {  	[sflag:s31] =	ssyncset.done $0x0  }
0x6b: {  	[sflag:s31] =	ssyncadd.s32 $0xFFFF8000  }
0x6c: {  	_ =	sfence.sel $0x180000  }
0x6d: {  	[bflag:$0x0] =	sbarrier.arrive $0xFFFF  }
0x6e: {  	_ =	strace $0x90000047  }
0x6f: {  	s0 =	stileid.u32;
	[bflag:$0x2] =	sbarrier.arrive $0xFFFF  }
0x70: {  	p0 =	sne.s32 s0, $0x0;
	s0 =	rddreg [dreg:$0x2]  }
0x71: {  	s0 =	sadd.s32 @!p0 $0x100000, s0  }
0x72: {  	[sflag:s0] =	ssyncadd.tile.s32 @!p0 $0x1;
	_ =	shalt  }
.Lfunc_end2:
_tile_overlayer_lowered:
.L_overlay_start_2:
0x73: {  	(tag) =	ssettag $0x2  }
0x74: {  	s0 =	rddreg [dreg:$0x0];
	s2 =	stileid.u32  }
0x75: {  	s1 =	rddreg [dreg:$0x1];
	p0 =	sne.s32 s2, $0x0  }
0x76: {  	s3 =	rddreg [dreg:$0x2];
	[bflag:$0x3] =	sbarrier.arrive $0xFFFF;
	s2 =	simm.s32 @!p0 $0x1C05  }
0x77: {  	[timem:s3], [sflag:s2] =	dma.local @!p0 [hbm:s0], s1  }
0x78: {  	s0 =	simm.s32 @!p0 $0x5  }
0x79: {  	_ =	swait.ge @!p0 [sflag:s0], s1  }
0x7a: {  	s1 =	ssub.s32 @!p0 $0x0, s1;
	[sflag:s0] =	ssyncset.done @!p0 $0x0  }
0x7b: {  	[sflag:s0] =	ssyncadd.s32 @!p0 s1  }
0x7c: {  	[bflag:$0x3] =	sbarrier.arrive $0xFFFF  }
0x7d: {  	_ =	shalt  }

// kernel: sparse-core-data-format-call.cloned.1.call-start
scs
called_computation_lowered:
.L_overlay_start_0:
0x0: {  	s2 =	sld [smem:$0x3FD9]  }
0x1: {  	s3 =	sld [smem:$0x3FFE];
	_ =	sdelay $0x1  }
0x2: {  	s1 =	srdreg.scid  }
0x3: {  	s0 =	sand.u32 $0x1, s1  }
0x4: {  	s18 =	sshll.u32 s0, $0xA;
	s2 =	sadd.s32 s3, s2  }
0x5: {  	s2 =	sadd.s32 s2, s18  }
0x6: {  	[smem:$0x3FC6] =	sst s2  }
0x7: {  	_ = 	snop  }
0x8: {  	s2 =	sld [smem:$0x3FD0];
	(tm) =	ssettm $0x1  }
0x9: {  	s19 =	sld [smem:$0x3FFB];
	_ =	sdelay $0x3  }
0xa: {  	_ =	strace s19  }
0xb: {  	s3 =	sld [smem:$0x3FFC];
	_ =	sdelay $0x3  }
0xc: {  	_ =	strace s3  }
0xd: {  	s3 =	sld [smem:$0x3FFD];
	_ =	sdelay $0x3  }
0xe: {  	_ =	strace s3  }
0xf: {  	_ =	strace $0x8FFFFFFF  }
0x10: {  	s20 =	sld [smem:$0x3FDB];
	_ =	sdelay $0x1  }
0x11: {  	s4 =	simm.s32 $_scs_section_size  }
0x12: {  	s5 =	simm.s32 $_size__tile_overlayer_lowered;
	s6 =	simm.s32 $_tile_overlayer_lowered  }
0x13: {  	s23 =	simm.s32 $0x1BFF;
	s22 =	sshll.u32 s6, $0x1;
	s3 =	sadd.s32 s4, s20  }
0x14: {  	s7 =	simm.s32 $0x0;
	s21 =	sshll.u32 s5, $0x1;
	s5 =	sadd.s32 s22, s3  }
0x15: {  	[timem:s7], [sflag:s23] =	dma.local [hbm:s5], s21  }
0x16: {  	_ =	swait.ge [sflag:s23], s21  }
0x17: {  	s4 =	ssub.s32 $0x0, s21;
	[sflag:s23] =	ssyncset.done $0x0  }
0x18: {  	[sflag:s23] =	ssyncadd.s32 s4;
	_ =	sdelay $0x1  }
0x19: {  	s24 =	simm.s32 $0x1B8B  }
0x1a: {  	_ =	swait.ge [sflag:s24], $0x1  }
0x1b: {  	[sflag:s24] =	ssyncset.done $0x0  }
0x1c: {  	s26 =	simm.s32 $0x1B8E;
	s25 =	sld [smem:$0x3FFE];
	[sflag:s24] =	ssyncadd.s32 $0xFFFFFFFF  }
0x1d: {  	s27 =	simm.s32 $execute0_lowered;
	[smem:$0x3FD2] =	sst s26  }
0x1e: {  	s5 =	sshll.u32 s27, $0x1;
	_ =	strace $0x80000049;
	[dreg:$0x1] =	wrdreg $0xFFFFFFFF  }
0x1f: {  	s28 =	simm.s32 $_size_execute0_lowered;
	s3 =	sadd.s32 s3, s5;
	[dreg:$0x0] =	wrdreg $0x0  }
0x20: {  	s5 =	sshll.u32 s28, $0x1;
	[dreg:$0x2] =	wrdreg s3  }
0x21: {  	[dreg:$0x3] =	wrdreg s5  }
0x22: {  	[dreg:$0x4] =	wrdreg $0xC0  }
0x23: {  	_ =	task [dreg:s7], $0x5FFFF  }
0x24: {  	[dreg:$0x1] =	wrdreg $0xFFFFFFFF  }
0x25: {  	[dreg:$0x0] =	wrdreg $0x60  }
0x26: {  	[dreg:$0x2] =	wrdreg s25  }
0x27: {  	[dreg:$0x3] =	wrdreg s2  }
0x28: {  	[dreg:$0x4] =	wrdreg $0x9  }
0x29: {  	_ =	task.clear_ibuf [dreg:s7], $0x5FFFF;
	_ =	strace $0x90000049  }
0x2a: {  	s29 =	simm.s32 $0x9;
	_ =	strace $0x8000004B  }
0x2b: {  	_ =	swait.ge [sflag:s29], $0x1  }
0x2c: {  	[sflag:s29] =	ssyncadd.s32 $0xFFFFFFFF  }
0x2d: {  	_ =	strace $0x9000004B  }
0x2e: {  	_ =	sfence  }
0x2f: {  	s30 =	sld [smem:$0x0];
	_ =	sdelay $0x2  }
0x30: {  	s31 =	sshll.u32 s1, $0xD;
	s1 =	sshrl.u32 s1, $0x2  }
0x31: {  	s3 =	sand.u32 $0x4000, s31;
	s1 =	sadd.s32 s1, s30  }
0x32: {  	s0 =	sor.u32 s3, s0;
	s1 =	sshll.u32 s1, $0x11  }
0x33: {  	s0 =	sor.u32 s1, s0  }
0x34: {  	s0 =	sadd.s32 $0x8F2B, s0  }
0x35: {  	[sflag:s0] =	ssyncadd.remote.s32 $0x1  }
0x36: {  	_ =	sfence.sel $0xFFFF  }
0x37: {  	[dreg:$0x0] =	wrdreg $0xFFFFFFFF;
	(pc) =	sbr.abs _section_cstart, $3  }
0x38: {  	[dreg:$0x1] =	wrdreg $0xFFFFFFFF  }
0x39: {  	_ =	task.clear_ibuf [dreg:s7], $0x2FFFF;
	_ =	strace $0x9FFFFFFF  }
0x3a: {  	(tm) =	ssettm $0x7FFFFFFF  }
0x3b: {  	_ =	shalt  }
tec
execute0_lowered:
.L_overlay_start_1:
0x0: {  	(tag) =	ssettag $0x1  }
0x1: {  	s0 =	srdreg.scid  }
0x2: {  	s1 =	sshll.u32 s0, $0x4  }
0x3: {  	s0 =	stileid.u32;
	s1 =	sand.u32 $0x10, s1  }
0x4: {  	s1 =	sor.u32 s0, s1  }
0x5: {  	s6 =	rddreg [dreg:$0x0];
	s4 =	simm.s32 $0x1;
	s2 =	sshll.u32 s1, $0x7  }
0x6: {  	s7 =	simm.s32 $0x2;
	s12 =	simm.s32 $0x0;
	s1 =	ssub.s32 $0x1000, s2  }
0x7: {  	s8 =	simm.s32 $0x8000;
	s13 =	simm.s32 $0x0;
	s3 =	sand.u32 $0xF80, s1  }
0x8: {  	s9 =	simm.s32 $0x0;
	s5 =	sshrl.u32 s1, $0xC;
	p0 =	sne.s32 s3, $0x0  }
.Ltmp0:
0x9: {  	s1 =	rddreg [dreg:$0x2];
	s4 =	simm.s32 @!p0 $0x0;
	(pc) =	sbr.rel .LBB1_1-.Ltmp0, $4  }
0xa: {  	s11 =	simm.s32 $0x0;
	s3 =	rddreg [dreg:$0x1];
	s5 =	sadd.s32 s4, s5  }
0xb: {  	_ =	strace $0x8000004A;
	s4 =	simm.s32 $0x1;
	s5 =	smul.u32 $0xC8, s5  }
0xc: {  	s6 =	sadd.s32 $0xA00, s6;
	s10 =	smov.u32 s2;
	[sflag:s4] =	ssyncpa.u1 $0x0  }
0xd: {  	p0 =	por $0x0, $0x0;
	[sflag:s7] =	ssyncpa.u1 $0x0;
	s7 =	sor.u32 $0x1, s5  }
.LBB1_4:
0xe: {  	s16 =	sshll.u32 s13, $0x3;
	s17 =	sand.u32 $0x78, s13  }
0xf: {  	s30 =	sand.u32 $0x7E00, s13;
	s12 =	sshll.u32 s12, $0xF;
	s16 =	sand.u32 $0xC00, s16  }
0x10: {  	[tilespmem:s15+$0x810 ss:$0x81] =	vst.msk $0xffff, v2;
	s31 =	sand.u32 $0x7, s13;
	s16 =	sor.u32 s17, s16;
	s17 =	sadd.s32 s3, s30  }
0x11: {  	[tilespmem:s15+$0x1020 ss:$0x81] =	vst.msk $0xffff, v0;
	s13 =	sshll.u32 s31, $0x12;
	s12 =	sadd.s32 s12, s17;
	s16 =	sshrl.u32 s16, $0x3  }
0x12: {  	[tilespmem:s15+$0x0 ss:$0x81] =	vst.msk $0xffff, v1;
	s13 =	sor.u32 $0x400, s13;
	s12 =	sadd.s32 s16, s12  }
0x13: {  	[hbm4b:s12+s13] =	stream.strided.scatter [tilespmem:s14], [sflag:$0x2], $0x2000, s8, s13, $0x20;
	[tilespmem:$0x8080] =	vst v63  }
.LBB1_5:
0x14: {  	s14 =	sadd.s32 $0x1, s9  }
0x15: {  	s12 =	sadd.s32 $0x1000, s10;
	s16 =	smov.u32 s10;
	p2 =	sgt.s32 s14, $0xC7  }
0x16: {  	s16 =	smov.u32 @p2 s12  }
0x17: {  	s14 =	simm.s32 @p2 $0x0;
	p2 =	sgt.s32 s16, $0xFFF  }
0x18: {  	s16 =	smov.u32 @p2 s2;
	p2 =	sne.s32 s11, s7  }
.Ltmp1:
0x19: {  	p1 =	slt.u32 s11, $0x2;
	(pc) =	sbr.rel @!p2 .LBB1_6-.Ltmp1, $4  }
0x1a: {  	s15 =	simm.s32 @!p1 $0x2  }
0x1b: {  	s13 =	smov.u32 s10;
	p0 =	por !p0, !p0;
	_ =	swait.ge @!p1 [sflag:s15], $0x2000  }
0x1c: {  	s12 =	smov.u32 s9;
	[sflag:s15] =	ssyncset.done @!p1 $0x0;
	s9 =	smov.u32 s14  }
0x1d: {  	s11 =	sadd.s32 $0x1, s11;
	[sflag:s15] =	ssyncadd.s32 @!p1 $0xFFFFE000;
	s10 =	smov.u32 s16  }
.LBB1_1:
0x1e: {  	p1 =	sge.u32 s11, s5  }
0x1f: {  	s14 =	sand.u32 @!p1 $0x1FFFFFF, s9  }
0x20: {  	s15 =	smulhi.u32 @!p1 $0x147AE15, s14;
	_ =	sdelay $0x1  }
0x21: {  	s15 =	smul.u32 @!p1 $0xC8, s15  }
0x22: {  	s16 =	sxor.u32 @!p1 $0xFFFFFFFF, s11;
	s17 =	smul.u32 @!p1 $0xC80, s10  }
0x23: {  	s31 =	sadd.s32 $0xFFFFFFFF, s11;
	s16 =	sshll.u32 @!p1 s16, $0xD;
	s14 =	ssub.s32 @!p1 s14, s15  }
0x24: {  	s15 =	sand.u32 @!p1 $0x2000, s16;
	s16 =	sadd.s32 @!p1 s6, s17;
	s14 =	sshll.u32 @!p1 s14, $0x4  }
0x25: {  	s17 =	simm.s32 @!p1 $0x6400;
	s14 =	sadd.s32 @!p1 s14, s16;
	s16 =	simm.s32 @!p1 $0x40  }
0x26: {  	[tilespmem:s15], [sflag:$0x1] =	stream.strided.gather @!p1 [hbm4b:s14+s16], $0x2000, s17, s16, $0x38;
	[tilespmem:$0x8080] =	vst v63  }
0x27: {  	p1 =	sge.u32 s31, s5  }
.Ltmp2:
0x28: {  	_ = 	snop;
	(pc) =	sbr.rel @p1 .LBB1_5-.Ltmp2, $1  }
0x29: {  	_ =	sdelay $0x3  }
0x2a: {  	s14 =	simm.s32 $0x1  }
0x2b: {  	_ =	swait.ge [sflag:s4], $0x2000;
	s14 =	simm.s32 @!p0 $0x0  }
0x2c: {  	[sflag:s4] =	ssyncset.done $0x0;
	s15 =	sshll.u32 s14, $0xD  }
0x2d: {  	[sflag:s4] =	ssyncadd.s32 $0xFFFFE000;
	s18 =	sor.u32 $0x20, s15  }
0x2e: {  	s14 =	smul.u32 $0x8100, s14;
	v3 =	vld [tilespmem:s18+$0x10]  }
0x2f: {  	s30 =	sand.u32 $0x1, s11;
	v2 =	vld [tilespmem:s18+$0xFFFFFFF0]  }
0x30: {  	s15 =	smul.u32 $0x8100, s30;
	s14 =	sshrl.u32 s14, $0x2;
	v0 =	vld [tilespmem:s18+$0x0]  }
0x31: {  	v1 =	vld [tilespmem:s18+$0xFFFFFFE0];
	s16 =	sor.u32 $0x4000, s14  }
0x32: {  	s31 =	sshrl.u32 s15, $0x2;
	s15 =	sadd.s32 $0x0, s16  }
0x33: {  	s17 =	simm.s32 $0x4;
	s18 =	sadd.s32 $0x40, s18;
	s14 =	sor.u32 $0x4000, s31;
	[tilespmem:s15+$0x1830 ss:$0x81] =	vst.msk $0xffff, v3  }
.LBB1_3:
0x34: {  	v3 =	vld [tilespmem:s18+$0x10];
	p1 =	sne.s32 s17, $0x1FC;
	[tilespmem:s15+$0x810 ss:$0x81] =	vst.msk $0xffff, v2;
	s19 =	smov.u32 s17;
	s17 =	sadd.s32 $0x4, s17  }
.Ltmp3:
0x35: {  	v2 =	vld [tilespmem:s18+$0xFFFFFFF0];
	[tilespmem:s15+$0x1020 ss:$0x81] =	vst.msk $0xffff, v0;
	(pc) =	sbr.rel @p1 .LBB1_3-.Ltmp3, $4  }
0x36: {  	v0 =	vld [tilespmem:s18+$0x0];
	[tilespmem:s15+$0x0 ss:$0x81] =	vst.msk $0xffff, v1  }
0x37: {  	s15 =	sshra.s32 s19, $0x2;
	v1 =	vld [tilespmem:s18+$0xFFFFFFE0]  }
0x38: {  	s15 =	sadd.s32 s15, s16  }
0x39: {  	s18 =	sadd.s32 $0x40, s18;
	[tilespmem:s15+$0x1830 ss:$0x81] =	vst.msk $0xffff, v3  }
.Ltmp4:
0x3a: {  	_ = 	snop;
	(pc) =	sbr.rel .LBB1_4-.Ltmp4, $1  }
0x3b: {  	_ =	sdelay $0x3  }
.LBB1_6:
0x3c: {  	_ =	sfence.sel $0x180000  }
0x3d: {  	s2 =	simm.s32 $0x1;
	[bflag:$0x0] =	sbarrier.arrive $0xFFFF  }
0x3e: {  	s31 =	simm.s32 $0x2;
	[sflag:s2] =	ssyncpa.u1 $0x1  }
0x3f: {  	[sflag:s31] =	ssyncpa.u1 $0x1  }
0x40: {  	p0 =	sne.s32 s0, $0x0;
	_ =	strace $0x9000004A  }
0x41: {  	s0 =	sadd.s32 @!p0 $0x100000, s1;
	[bflag:$0x2] =	sbarrier.arrive $0xFFFF  }
0x42: {  	[sflag:s0] =	ssyncadd.tile.s32 @!p0 $0x1;
	_ =	shalt  }
.Lfunc_end1:
_tile_overlayer_lowered:
.L_overlay_start_2:
0x43: {  	(tag) =	ssettag $0x2  }
0x44: {  	s0 =	rddreg [dreg:$0x0];
	s2 =	stileid.u32  }
0x45: {  	s1 =	rddreg [dreg:$0x1];
	p0 =	sne.s32 s2, $0x0  }
0x46: {  	s3 =	rddreg [dreg:$0x2];
	[bflag:$0x3] =	sbarrier.arrive $0xFFFF;
	s2 =	simm.s32 @!p0 $0x1C01  }
0x47: {  	[timem:s3], [sflag:s2] =	dma.local @!p0 [hbm:s0], s1  }
0x48: {  	s0 =	simm.s32 @!p0 $0x1  }
0x49: {  	_ =	swait.ge @!p0 [sflag:s0], s1  }
0x4a: {  	s1 =	ssub.s32 @!p0 $0x0, s1;
	[sflag:s0] =	ssyncset.done @!p0 $0x0  }
0x4b: {  	[sflag:s0] =	ssyncadd.s32 @!p0 s1  }
0x4c: {  	[bflag:$0x3] =	sbarrier.arrive $0xFFFF  }
0x4d: {  	_ =	shalt  }

</sc_bundles>
